<compile_context>
chip_gen: v7x
topology: tpu7x:2x2x1
jax: 0.10.2.dev20260603
libtpu: 0.0.44.dev20260713+nightly
codegen_flags: <defaults>
</compile_context>

<pallas_src>
import functools

import jax
import jax.numpy as jnp
from jax import lax
from jax.experimental import pallas as pl
from jax.experimental.pallas import tpu as pltpu
from jax.experimental.pallas import tpu_sc as plsc

_B, _H, _W, _C = 32, 32, 32, 768
_N = _H * _W
_K = 1000
_KP = 1024
_SEL = 128
_OUT_EMB = 1024
_L = 16


def _scorer_body(x_ref, w_ref, b_ref, mean_ref, score_ref):
    xb = x_ref[0]
    pred = lax.dot_general(xb, w_ref[...], (((1,), (1,)), ((), ())),
                           preferred_element_type=jnp.float32)
    pred = pred + b_ref[...]
    m = jnp.max(pred, axis=1, keepdims=True)
    s = jnp.sum(jnp.exp(pred - m), axis=1)
    score_ref[...] = (1.0 / s)[None, None, :]
    mean_ref[...] = (jnp.sum(pred, axis=0) * (1.0 / _N))[None, None, :]


def _run_scorer(xf, w, b_row, interpret=False):
    return pl.pallas_call(
        _scorer_body,
        grid=(_B,),
        in_specs=[
            pl.BlockSpec((1, _N, _C), lambda b: (b, 0, 0)),
            pl.BlockSpec((_K, _C), lambda b: (0, 0)),
            pl.BlockSpec((1, _K), lambda b: (0, 0)),
        ],
        out_specs=[
            pl.BlockSpec((1, 1, _K), lambda b: (b, 0, 0)),
            pl.BlockSpec((1, 1, _N), lambda b: (b, 0, 0)),
        ],
        out_shape=[
            jax.ShapeDtypeStruct((_B, 1, _K), jnp.float32),
            jax.ShapeDtypeStruct((_B, 1, _N), jnp.float32),
        ],
        interpret=interpret,
    )(xf, w, b_row)


def _splat(v):
    return jnp.broadcast_to(v, (_L,)) if v.ndim == 0 else v


def _sc_body(score_hbm, x_hbm, zero_hbm, out_hbm, score_v, idx_v, rows_v, zero_v, sem):
    nc = 2
    b = lax.axis_index("s") * nc + lax.axis_index("c")
    pltpu.sync_copy(score_hbm.at[b], score_v)
    pltpu.sync_copy(zero_hbm, zero_v)

    iota = lax.iota(jnp.int32, _L)
    lane0 = iota == 0
    neg = jnp.full((_L,), -jnp.inf, jnp.float32)

    gmax = neg
    for g in range(16):
        s0 = score_v[pl.ds(64 * g + 0, _L)]
        s1 = score_v[pl.ds(64 * g + 16, _L)]
        s2 = score_v[pl.ds(64 * g + 32, _L)]
        s3 = score_v[pl.ds(64 * g + 48, _L)]
        mg = jnp.max(jnp.maximum(jnp.maximum(s0, s1), jnp.maximum(s2, s3)))
        gmax = jnp.where(iota == g, mg, gmax)

    base = b * _N

    def body(it, gmax):
        big = jnp.max(gmax)
        mv = jnp.full((_L,), big)
        grp = _splat(plsc.all_reduce_ffs(gmax == mv))
        q0 = plsc.load_gather(score_v, [grp * 64 + iota])
        q1 = plsc.load_gather(score_v, [grp * 64 + 16 + iota])
        q2 = plsc.load_gather(score_v, [grp * 64 + 32 + iota])
        q3 = plsc.load_gather(score_v, [grp * 64 + 48 + iota])
        e0, e1, e2, e3 = q0 == mv, q1 == mv, q2 == mv, q3 == mv
        c0 = _splat(plsc.all_reduce_population_count(e0))
        c1 = _splat(plsc.all_reduce_population_count(e1))
        c2 = _splat(plsc.all_reduce_population_count(e2))
        f0 = _splat(plsc.all_reduce_ffs(e0))
        f1 = _splat(plsc.all_reduce_ffs(e1))
        f2 = _splat(plsc.all_reduce_ffs(e2))
        f3 = _splat(plsc.all_reduce_ffs(e3))
        h0 = c0 > 0
        h1 = jnp.logical_and(jnp.logical_not(h0), c1 > 0)
        h2 = jnp.logical_and(jnp.logical_not(jnp.logical_or(h0, h1)), c2 > 0)
        h3 = jnp.logical_not(jnp.logical_or(jnp.logical_or(h0, h1), h2))
        off = jnp.where(h0, 0, jnp.where(h1, 16, jnp.where(h2, 32, 48)))
        lane = jnp.where(h0, f0, jnp.where(h1, f1, jnp.where(h2, f2, f3)))
        idx = grp * 64 + off + lane
        it_v = jnp.full((_L,), it, jnp.int32)
        plsc.store_scatter(idx_v, [it_v], idx + base, mask=lane0)
        plsc.store_scatter(score_v, [idx], neg, mask=lane0)
        q0 = jnp.where(jnp.logical_and(h0, iota == lane), neg, q0)
        q1 = jnp.where(jnp.logical_and(h1, iota == lane), neg, q1)
        q2 = jnp.where(jnp.logical_and(h2, iota == lane), neg, q2)
        q3 = jnp.where(jnp.logical_and(h3, iota == lane), neg, q3)
        ng = jnp.max(jnp.maximum(jnp.maximum(q0, q1), jnp.maximum(q2, q3)))
        return jnp.where(iota == grp, ng, gmax)

    lax.fori_loop(0, _SEL, body, gmax)

    pltpu.async_copy(x_hbm.at[idx_v], rows_v, sem).wait()
    pltpu.sync_copy(rows_v, out_hbm.at[b, :, pl.ds(0, _C)])
    pltpu.sync_copy(zero_v, out_hbm.at[b, pl.ds(0, 64), pl.ds(_C, _OUT_EMB - _C)])
    pltpu.sync_copy(zero_v, out_hbm.at[b, pl.ds(64, 64), pl.ds(_C, _OUT_EMB - _C)])


def _run_select_gather(scores, xflat, zeros):
    mesh = plsc.VectorSubcoreMesh(core_axis_name="c", subcore_axis_name="s")
    kern = pl.kernel(
        _sc_body,
        out_type=jax.ShapeDtypeStruct((_B, _SEL, _OUT_EMB), jnp.float32),
        mesh=mesh,
        scratch_types=[
            pltpu.VMEM((_N,), jnp.float32),
            pltpu.VMEM((_SEL,), jnp.int32),
            pltpu.VMEM((_SEL, _C), jnp.float32),
            pltpu.VMEM((64, _OUT_EMB - _C), jnp.float32),
            pltpu.SemaphoreType.DMA,
        ],
        compiler_params=pltpu.CompilerParams(needs_layout_passes=False),
    )
    return kern(scores, xflat, zeros)


@jax.jit
def kernel(x, fc_w, fc_b):
    xf = x.reshape(_B, _N, _C)
    mean_out, score_out = _run_scorer(xf, fc_w, fc_b.reshape(1, _K))
    mean_pred = mean_out.reshape(_B, _K)
    scores = score_out.reshape(_B, _N)
    zeros = jnp.zeros((64, _OUT_EMB - _C), jnp.float32)
    padded = _run_select_gather(scores, xf.reshape(_B * _N, _C), zeros)
    return (mean_pred, padded)

# --- scband reference (transcript-rebuilt; emitter-appended) ---
"""Pipeline reference for scband-wss-15444702396610 (READ-ONLY COPY).

The authoritative reference and input builder live on the scoring server;
editing this copy changes nothing except your own understanding.
"""

import jax, jax.numpy as jnp
import numpy as np

B, H, W, C = 32, 32, 32, 768
NUM_CLASSES = 1000
NUM_SELECTS = 128
OUT_EMB = 1024


def setup_inputs(seed: int = 0) -> dict:
    key = jax.random.key(seed)
    k1, k2, k3 = jax.random.split(key, 3)
    x = jax.random.normal(k1, (B, H, W, C), dtype=jnp.float32)
    bound = 1.0 / np.sqrt(C)
    fc_w = jax.random.uniform(k2, (NUM_CLASSES, C), minval=-bound, maxval=bound, dtype=jnp.float32)
    fc_b = jax.random.uniform(k3, (NUM_CLASSES,), minval=-bound, maxval=bound, dtype=jnp.float32)
    return {"x": x, "fc_w": fc_w, "fc_b": fc_b}


def reference(x, fc_w, fc_b):
    # torch.flatten(x, start_dim=1, end_dim=2): [B, H, W, C] -> [B, H*W, C]
    xf = x.reshape(x.shape[0], x.shape[1] * x.shape[2], x.shape[3])
    # pred = self.fc(x): [B, N, num_classes]
    pred = jnp.einsum('bnc,kc->bnk', xf, fc_w) + fc_b
    # logits = softmax(pred, dim=-1)
    logits = jax.nn.softmax(pred, axis=-1)
    # scores = max over classes per token
    scores = jnp.max(logits, axis=-1)  # [B, N]
    # sort descending, take top num_selects token ids
    ids = jnp.argsort(-scores, axis=-1)  # [B, N]
    indexes = ids[:, :NUM_SELECTS]  # [B, num_selects]
    # gather selected token features: [B, num_selects, C]
    selected_features = jnp.take_along_axis(xf, indexes[:, :, None], axis=1)
    # pad last dim to out_embedding_size
    padded_selected = jnp.pad(
        selected_features,
        ((0, 0), (0, 0), (0, OUT_EMB - C)),
        mode='constant', constant_values=0.0,
    )
    return (jnp.mean(pred, axis=1), padded_selected)

if __name__ == "__main__":
    import jax
    _d = setup_inputs()
    print(jax.jit(kernel)(*tuple(_d.values())))

</pallas_src>

<mosaic_0001>
#map = affine_map<(d0, d1) -> (0, 0)>
#map1 = affine_map<(d0, d1) -> (0, 0, 0)>
module attributes {stable_mosaic.version = 14 : i64} {
  func.func @_sc_body(%arg0: i32, %arg1: i32, %arg2: memref<32x1024xf32, #tpu.memory_space<hbm>>, %arg3: memref<32768x768xf32, #tpu.memory_space<hbm>>, %arg4: memref<64x256xf32, #tpu.memory_space<hbm>>, %arg5: memref<32x128x1024xf32, #tpu.memory_space<hbm>>, %arg6: memref<1024xf32, #tpu.memory_space<vmem>>, %arg7: memref<128xi32, #tpu.memory_space<vmem>>, %arg8: memref<128x768xf32, #tpu.memory_space<vmem>>, %arg9: memref<64x256xf32, #tpu.memory_space<vmem>>, %arg10: memref<!tpu.dma_semaphore, #tpu.memory_space<semaphore_mem>>) attributes {dimension_semantics = [#tpu.dimension_semantics<core_parallel>, #tpu.dimension_semantics<subcore_parallel>], iteration_bounds = array<i64: 2, 16>, scalar_prefetch = 0 : i64, scratch_operands = 5 : i64, tpu.core_type = #tpu.core_type<sc_vector_subcore>, window_params = [{transform_indices = #map}, {transform_indices = #map}, {transform_indices = #map}, {transform_indices = #map1}]} {
    %mul3A = arith.constant 2 : i32
    %mul3A_0 = arith.muli %arg1, %mul3A : i32
    %add3A = arith.addi %mul3A_0, %arg0 : i32
    "tpu.region"() ({
      %run_scoped3A = tpu.sem_alloc : memref<!tpu.dma_semaphore, #tpu.memory_space<semaphore_mem>>
      %dma_start3A_331 = arith.constant 0 : i32
      %dma_start3A_332 = tpu.memref_slice %arg2[%add3A, %dma_start3A_331] : memref<32x1024xf32, #tpu.memory_space<hbm>> -> memref<1x1024xf32, #tpu.memory_space<hbm>>
      %dma_start3A_333 = tpu.memref_squeeze %dma_start3A_332 : memref<1x1024xf32, #tpu.memory_space<hbm>> -> memref<1024xf32, #tpu.memory_space<hbm>>
      %dma_start3A_334 = arith.constant 0 : i32
      %dma_start3A_335 = tpu.memref_slice %arg2[%add3A, %dma_start3A_334] : memref<32x1024xf32, #tpu.memory_space<hbm>> -> memref<1x1024xf32, #tpu.memory_space<hbm>>
      %dma_start3A_336 = tpu.memref_squeeze %dma_start3A_335 : memref<1x1024xf32, #tpu.memory_space<hbm>> -> memref<1024xf32, #tpu.memory_space<hbm>>
      tpu.enqueue_dma source(%dma_start3A_336 : memref<1024xf32, #tpu.memory_space<hbm>>) target(%arg6 : memref<1024xf32, #tpu.memory_space<vmem>>) target_semaphore(%run_scoped3A : memref<!tpu.dma_semaphore, #tpu.memory_space<semaphore_mem>>)
      %dma_wait3A_337 = arith.constant 0 : i32
      %dma_wait3A_338 = tpu.memref_slice %arg2[%add3A, %dma_wait3A_337] : memref<32x1024xf32, #tpu.memory_space<hbm>> -> memref<1x1024xf32, #tpu.memory_space<hbm>>
      %dma_wait3A_339 = tpu.memref_squeeze %dma_wait3A_338 : memref<1x1024xf32, #tpu.memory_space<hbm>> -> memref<1024xf32, #tpu.memory_space<hbm>>
      %dma_wait3A_340 = arith.constant 0 : i32
      %dma_wait3A_341 = tpu.memref_slice %arg2[%add3A, %dma_wait3A_340] : memref<32x1024xf32, #tpu.memory_space<hbm>> -> memref<1x1024xf32, #tpu.memory_space<hbm>>
      %dma_wait3A_342 = tpu.memref_squeeze %dma_wait3A_341 : memref<1x1024xf32, #tpu.memory_space<hbm>> -> memref<1024xf32, #tpu.memory_space<hbm>>
      tpu.wait_dma2 semaphore(%run_scoped3A : memref<!tpu.dma_semaphore, #tpu.memory_space<semaphore_mem>>) src(%dma_wait3A_342 : memref<1024xf32, #tpu.memory_space<hbm>>) dst(%arg6 : memref<1024xf32, #tpu.memory_space<vmem>>)
      tpu.yield
    }) : () -> ()
    "tpu.region"() ({
      %run_scoped3A = tpu.sem_alloc : memref<!tpu.dma_semaphore, #tpu.memory_space<semaphore_mem>>
      tpu.enqueue_dma source(%arg4 : memref<64x256xf32, #tpu.memory_space<hbm>>) target(%arg9 : memref<64x256xf32, #tpu.memory_space<vmem>>) target_semaphore(%run_scoped3A : memref<!tpu.dma_semaphore, #tpu.memory_space<semaphore_mem>>)
      tpu.wait_dma2 semaphore(%run_scoped3A : memref<!tpu.dma_semaphore, #tpu.memory_space<semaphore_mem>>) src(%arg4 : memref<64x256xf32, #tpu.memory_space<hbm>>) dst(%arg9 : memref<64x256xf32, #tpu.memory_space<vmem>>)
      tpu.yield
    }) : () -> ()
    %iota3A = tpu.iota {dimensions = array<i32: 0>} : vector<16xi32>
    %eq3A = arith.constant 0 : i32
    %eq3A_1 = vector.broadcast %eq3A : i32 to vector<16xi32>
    %eq3A_2 = arith.cmpi eq, %iota3A, %eq3A_1 : vector<16xi32>
    %broadcast_in_dim3A = arith.constant 0xFF800000 : f32
    %broadcast_in_dim3A_3 = vector.broadcast %broadcast_in_dim3A : f32 to vector<16xf32>
    %get3A = arith.constant 0 : index
    %get3A_4 = tpu.vector_load %arg6[%get3A] {strides = array<i32>} : memref<1024xf32, #tpu.memory_space<vmem>>, vector<16xf32>,
    %get3A_5 = arith.constant 16 : index
    %get3A_6 = tpu.vector_load %arg6[%get3A_5] {strides = array<i32>} : memref<1024xf32, #tpu.memory_space<vmem>>, vector<16xf32>,
    %get3A_7 = arith.constant 32 : index
    %get3A_8 = tpu.vector_load %arg6[%get3A_7] {strides = array<i32>} : memref<1024xf32, #tpu.memory_space<vmem>>, vector<16xf32>,
    %get3A_9 = arith.constant 48 : index
    %get3A_10 = tpu.vector_load %arg6[%get3A_9] {strides = array<i32>} : memref<1024xf32, #tpu.memory_space<vmem>>, vector<16xf32>,
    %max3A = arith.maximumf %get3A_4, %get3A_6 : vector<16xf32>
    %max3A_11 = arith.maximumf %get3A_8, %get3A_10 : vector<16xf32>
    %max3A_12 = arith.maximumf %max3A, %max3A_11 : vector<16xf32>
    %reduce_max3A = arith.constant true
    %reduce_max3A_13 = vector.broadcast %reduce_max3A : i1 to vector<16xi1>
    %reduce_max3A_14 = tpu.scan <max>, %max3A_12 masked %reduce_max3A_13 : vector<16xf32>, vector<16xi1> -> vector<16xf32>
    %reduce_max3A_15 = vector.extract %reduce_max3A_14[15] : f32 from vector<16xf32>
    %eq3A_16 = arith.constant 0 : i32
    %eq3A_17 = vector.broadcast %eq3A_16 : i32 to vector<16xi32>
    %eq3A_18 = arith.cmpi eq, %iota3A, %eq3A_17 : vector<16xi32>
    %broadcast_in_dim3A_19 = vector.broadcast %reduce_max3A_15 : f32 to vector<16xf32>
    %select_n3A = arith.select %eq3A_18, %broadcast_in_dim3A_19, %broadcast_in_dim3A_3 : vector<16xi1>, vector<16xf32>
    %get3A_20 = arith.constant 64 : index
    %get3A_21 = tpu.vector_load %arg6[%get3A_20] {strides = array<i32>} : memref<1024xf32, #tpu.memory_space<vmem>>, vector<16xf32>,
    %get3A_22 = arith.constant 80 : index
    %get3A_23 = tpu.vector_load %arg6[%get3A_22] {strides = array<i32>} : memref<1024xf32, #tpu.memory_space<vmem>>, vector<16xf32>,
    %get3A_24 = arith.constant 96 : index
    %get3A_25 = tpu.vector_load %arg6[%get3A_24] {strides = array<i32>} : memref<1024xf32, #tpu.memory_space<vmem>>, vector<16xf32>,
    %get3A_26 = arith.constant 112 : index
    %get3A_27 = tpu.vector_load %arg6[%get3A_26] {strides = array<i32>} : memref<1024xf32, #tpu.memory_space<vmem>>, vector<16xf32>,
    %max3A_28 = arith.maximumf %get3A_21, %get3A_23 : vector<16xf32>
    %max3A_29 = arith.maximumf %get3A_25, %get3A_27 : vector<16xf32>
    %max3A_30 = arith.maximumf %max3A_28, %max3A_29 : vector<16xf32>
    %reduce_max3A_31 = arith.constant true
    %reduce_max3A_32 = vector.broadcast %reduce_max3A_31 : i1 to vector<16xi1>
    %reduce_max3A_33 = tpu.scan <max>, %max3A_30 masked %reduce_max3A_32 : vector<16xf32>, vector<16xi1> -> vector<16xf32>
    %reduce_max3A_34 = vector.extract %reduce_max3A_33[15] : f32 from vector<16xf32>
    %eq3A_35 = arith.constant 1 : i32
    %eq3A_36 = vector.broadcast %eq3A_35 : i32 to vector<16xi32>
    %eq3A_37 = arith.cmpi eq, %iota3A, %eq3A_36 : vector<16xi32>
    %broadcast_in_dim3A_38 = vector.broadcast %reduce_max3A_34 : f32 to vector<16xf32>
    %select_n3A_39 = arith.select %eq3A_37, %broadcast_in_dim3A_38, %select_n3A : vector<16xi1>, vector<16xf32>
    %get3A_40 = arith.constant 128 : index
    %get3A_41 = tpu.vector_load %arg6[%get3A_40] {strides = array<i32>} : memref<1024xf32, #tpu.memory_space<vmem>>, vector<16xf32>,
    %get3A_42 = arith.constant 144 : index
    %get3A_43 = tpu.vector_load %arg6[%get3A_42] {strides = array<i32>} : memref<1024xf32, #tpu.memory_space<vmem>>, vector<16xf32>,
    %get3A_44 = arith.constant 160 : index
    %get3A_45 = tpu.vector_load %arg6[%get3A_44] {strides = array<i32>} : memref<1024xf32, #tpu.memory_space<vmem>>, vector<16xf32>,
    %get3A_46 = arith.constant 176 : index
    %get3A_47 = tpu.vector_load %arg6[%get3A_46] {strides = array<i32>} : memref<1024xf32, #tpu.memory_space<vmem>>, vector<16xf32>,
    %max3A_48 = arith.maximumf %get3A_41, %get3A_43 : vector<16xf32>
    %max3A_49 = arith.maximumf %get3A_45, %get3A_47 : vector<16xf32>
    %max3A_50 = arith.maximumf %max3A_48, %max3A_49 : vector<16xf32>
    %reduce_max3A_51 = arith.constant true
    %reduce_max3A_52 = vector.broadcast %reduce_max3A_51 : i1 to vector<16xi1>
    %reduce_max3A_53 = tpu.scan <max>, %max3A_50 masked %reduce_max3A_52 : vector<16xf32>, vector<16xi1> -> vector<16xf32>
    %reduce_max3A_54 = vector.extract %reduce_max3A_53[15] : f32 from vector<16xf32>
    %eq3A_55 = arith.constant 2 : i32
    %eq3A_56 = vector.broadcast %eq3A_55 : i32 to vector<16xi32>
    %eq3A_57 = arith.cmpi eq, %iota3A, %eq3A_56 : vector<16xi32>
    %broadcast_in_dim3A_58 = vector.broadcast %reduce_max3A_54 : f32 to vector<16xf32>
    %select_n3A_59 = arith.select %eq3A_57, %broadcast_in_dim3A_58, %select_n3A_39 : vector<16xi1>, vector<16xf32>
    %get3A_60 = arith.constant 192 : index
    %get3A_61 = tpu.vector_load %arg6[%get3A_60] {strides = array<i32>} : memref<1024xf32, #tpu.memory_space<vmem>>, vector<16xf32>,
    %get3A_62 = arith.constant 208 : index
    %get3A_63 = tpu.vector_load %arg6[%get3A_62] {strides = array<i32>} : memref<1024xf32, #tpu.memory_space<vmem>>, vector<16xf32>,
    %get3A_64 = arith.constant 224 : index
    %get3A_65 = tpu.vector_load %arg6[%get3A_64] {strides = array<i32>} : memref<1024xf32, #tpu.memory_space<vmem>>, vector<16xf32>,
    %get3A_66 = arith.constant 240 : index
    %get3A_67 = tpu.vector_load %arg6[%get3A_66] {strides = array<i32>} : memref<1024xf32, #tpu.memory_space<vmem>>, vector<16xf32>,
    %max3A_68 = arith.maximumf %get3A_61, %get3A_63 : vector<16xf32>
    %max3A_69 = arith.maximumf %get3A_65, %get3A_67 : vector<16xf32>
    %max3A_70 = arith.maximumf %max3A_68, %max3A_69 : vector<16xf32>
    %reduce_max3A_71 = arith.constant true
    %reduce_max3A_72 = vector.broadcast %reduce_max3A_71 : i1 to vector<16xi1>
    %reduce_max3A_73 = tpu.scan <max>, %max3A_70 masked %reduce_max3A_72 : vector<16xf32>, vector<16xi1> -> vector<16xf32>
    %reduce_max3A_74 = vector.extract %reduce_max3A_73[15] : f32 from vector<16xf32>
    %eq3A_75 = arith.constant 3 : i32
    %eq3A_76 = vector.broadcast %eq3A_75 : i32 to vector<16xi32>
    %eq3A_77 = arith.cmpi eq, %iota3A, %eq3A_76 : vector<16xi32>
    %broadcast_in_dim3A_78 = vector.broadcast %reduce_max3A_74 : f32 to vector<16xf32>
    %select_n3A_79 = arith.select %eq3A_77, %broadcast_in_dim3A_78, %select_n3A_59 : vector<16xi1>, vector<16xf32>
    %get3A_80 = arith.constant 256 : index
    %get3A_81 = tpu.vector_load %arg6[%get3A_80] {strides = array<i32>} : memref<1024xf32, #tpu.memory_space<vmem>>, vector<16xf32>,
    %get3A_82 = arith.constant 272 : index
    %get3A_83 = tpu.vector_load %arg6[%get3A_82] {strides = array<i32>} : memref<1024xf32, #tpu.memory_space<vmem>>, vector<16xf32>,
    %get3A_84 = arith.constant 288 : index
    %get3A_85 = tpu.vector_load %arg6[%get3A_84] {strides = array<i32>} : memref<1024xf32, #tpu.memory_space<vmem>>, vector<16xf32>,
    %get3A_86 = arith.constant 304 : index
    %get3A_87 = tpu.vector_load %arg6[%get3A_86] {strides = array<i32>} : memref<1024xf32, #tpu.memory_space<vmem>>, vector<16xf32>,
    %max3A_88 = arith.maximumf %get3A_81, %get3A_83 : vector<16xf32>
    %max3A_89 = arith.maximumf %get3A_85, %get3A_87 : vector<16xf32>
    %max3A_90 = arith.maximumf %max3A_88, %max3A_89 : vector<16xf32>
    %reduce_max3A_91 = arith.constant true
    %reduce_max3A_92 = vector.broadcast %reduce_max3A_91 : i1 to vector<16xi1>
    %reduce_max3A_93 = tpu.scan <max>, %max3A_90 masked %reduce_max3A_92 : vector<16xf32>, vector<16xi1> -> vector<16xf32>
    %reduce_max3A_94 = vector.extract %reduce_max3A_93[15] : f32 from vector<16xf32>
    %eq3A_95 = arith.constant 4 : i32
    %eq3A_96 = vector.broadcast %eq3A_95 : i32 to vector<16xi32>
    %eq3A_97 = arith.cmpi eq, %iota3A, %eq3A_96 : vector<16xi32>
    %broadcast_in_dim3A_98 = vector.broadcast %reduce_max3A_94 : f32 to vector<16xf32>
    %select_n3A_99 = arith.select %eq3A_97, %broadcast_in_dim3A_98, %select_n3A_79 : vector<16xi1>, vector<16xf32>
    %get3A_100 = arith.constant 320 : index
    %get3A_101 = tpu.vector_load %arg6[%get3A_100] {strides = array<i32>} : memref<1024xf32, #tpu.memory_space<vmem>>, vector<16xf32>,
    %get3A_102 = arith.constant 336 : index
    %get3A_103 = tpu.vector_load %arg6[%get3A_102] {strides = array<i32>} : memref<1024xf32, #tpu.memory_space<vmem>>, vector<16xf32>,
    %get3A_104 = arith.constant 352 : index
    %get3A_105 = tpu.vector_load %arg6[%get3A_104] {strides = array<i32>} : memref<1024xf32, #tpu.memory_space<vmem>>, vector<16xf32>,
    %get3A_106 = arith.constant 368 : index
    %get3A_107 = tpu.vector_load %arg6[%get3A_106] {strides = array<i32>} : memref<1024xf32, #tpu.memory_space<vmem>>, vector<16xf32>,
    %max3A_108 = arith.maximumf %get3A_101, %get3A_103 : vector<16xf32>
    %max3A_109 = arith.maximumf %get3A_105, %get3A_107 : vector<16xf32>
    %max3A_110 = arith.maximumf %max3A_108, %max3A_109 : vector<16xf32>
    %reduce_max3A_111 = arith.constant true
    %reduce_max3A_112 = vector.broadcast %reduce_max3A_111 : i1 to vector<16xi1>
    %reduce_max3A_113 = tpu.scan <max>, %max3A_110 masked %reduce_max3A_112 : vector<16xf32>, vector<16xi1> -> vector<16xf32>
    %reduce_max3A_114 = vector.extract %reduce_max3A_113[15] : f32 from vector<16xf32>
    %eq3A_115 = arith.constant 5 : i32
    %eq3A_116 = vector.broadcast %eq3A_115 : i32 to vector<16xi32>
    %eq3A_117 = arith.cmpi eq, %iota3A, %eq3A_116 : vector<16xi32>
    %broadcast_in_dim3A_118 = vector.broadcast %reduce_max3A_114 : f32 to vector<16xf32>
    %select_n3A_119 = arith.select %eq3A_117, %broadcast_in_dim3A_118, %select_n3A_99 : vector<16xi1>, vector<16xf32>
    %get3A_120 = arith.constant 384 : index
    %get3A_121 = tpu.vector_load %arg6[%get3A_120] {strides = array<i32>} : memref<1024xf32, #tpu.memory_space<vmem>>, vector<16xf32>,
    %get3A_122 = arith.constant 400 : index
    %get3A_123 = tpu.vector_load %arg6[%get3A_122] {strides = array<i32>} : memref<1024xf32, #tpu.memory_space<vmem>>, vector<16xf32>,
    %get3A_124 = arith.constant 416 : index
    %get3A_125 = tpu.vector_load %arg6[%get3A_124] {strides = array<i32>} : memref<1024xf32, #tpu.memory_space<vmem>>, vector<16xf32>,
    %get3A_126 = arith.constant 432 : index
    %get3A_127 = tpu.vector_load %arg6[%get3A_126] {strides = array<i32>} : memref<1024xf32, #tpu.memory_space<vmem>>, vector<16xf32>,
    %max3A_128 = arith.maximumf %get3A_121, %get3A_123 : vector<16xf32>
    %max3A_129 = arith.maximumf %get3A_125, %get3A_127 : vector<16xf32>
    %max3A_130 = arith.maximumf %max3A_128, %max3A_129 : vector<16xf32>
    %reduce_max3A_131 = arith.constant true
    %reduce_max3A_132 = vector.broadcast %reduce_max3A_131 : i1 to vector<16xi1>
    %reduce_max3A_133 = tpu.scan <max>, %max3A_130 masked %reduce_max3A_132 : vector<16xf32>, vector<16xi1> -> vector<16xf32>
    %reduce_max3A_134 = vector.extract %reduce_max3A_133[15] : f32 from vector<16xf32>
    %eq3A_135 = arith.constant 6 : i32
    %eq3A_136 = vector.broadcast %eq3A_135 : i32 to vector<16xi32>
    %eq3A_137 = arith.cmpi eq, %iota3A, %eq3A_136 : vector<16xi32>
    %broadcast_in_dim3A_138 = vector.broadcast %reduce_max3A_134 : f32 to vector<16xf32>
    %select_n3A_139 = arith.select %eq3A_137, %broadcast_in_dim3A_138, %select_n3A_119 : vector<16xi1>, vector<16xf32>
    %get3A_140 = arith.constant 448 : index
    %get3A_141 = tpu.vector_load %arg6[%get3A_140] {strides = array<i32>} : memref<1024xf32, #tpu.memory_space<vmem>>, vector<16xf32>,
    %get3A_142 = arith.constant 464 : index
    %get3A_143 = tpu.vector_load %arg6[%get3A_142] {strides = array<i32>} : memref<1024xf32, #tpu.memory_space<vmem>>, vector<16xf32>,
    %get3A_144 = arith.constant 480 : index
    %get3A_145 = tpu.vector_load %arg6[%get3A_144] {strides = array<i32>} : memref<1024xf32, #tpu.memory_space<vmem>>, vector<16xf32>,
    %get3A_146 = arith.constant 496 : index
    %get3A_147 = tpu.vector_load %arg6[%get3A_146] {strides = array<i32>} : memref<1024xf32, #tpu.memory_space<vmem>>, vector<16xf32>,
    %max3A_148 = arith.maximumf %get3A_141, %get3A_143 : vector<16xf32>
    %max3A_149 = arith.maximumf %get3A_145, %get3A_147 : vector<16xf32>
    %max3A_150 = arith.maximumf %max3A_148, %max3A_149 : vector<16xf32>
    %reduce_max3A_151 = arith.constant true
    %reduce_max3A_152 = vector.broadcast %reduce_max3A_151 : i1 to vector<16xi1>
    %reduce_max3A_153 = tpu.scan <max>, %max3A_150 masked %reduce_max3A_152 : vector<16xf32>, vector<16xi1> -> vector<16xf32>
    %reduce_max3A_154 = vector.extract %reduce_max3A_153[15] : f32 from vector<16xf32>
    %eq3A_155 = arith.constant 7 : i32
    %eq3A_156 = vector.broadcast %eq3A_155 : i32 to vector<16xi32>
    %eq3A_157 = arith.cmpi eq, %iota3A, %eq3A_156 : vector<16xi32>
    %broadcast_in_dim3A_158 = vector.broadcast %reduce_max3A_154 : f32 to vector<16xf32>
    %select_n3A_159 = arith.select %eq3A_157, %broadcast_in_dim3A_158, %select_n3A_139 : vector<16xi1>, vector<16xf32>
    %get3A_160 = arith.constant 512 : index
    %get3A_161 = tpu.vector_load %arg6[%get3A_160] {strides = array<i32>} : memref<1024xf32, #tpu.memory_space<vmem>>, vector<16xf32>,
    %get3A_162 = arith.constant 528 : index
    %get3A_163 = tpu.vector_load %arg6[%get3A_162] {strides = array<i32>} : memref<1024xf32, #tpu.memory_space<vmem>>, vector<16xf32>,
    %get3A_164 = arith.constant 544 : index
    %get3A_165 = tpu.vector_load %arg6[%get3A_164] {strides = array<i32>} : memref<1024xf32, #tpu.memory_space<vmem>>, vector<16xf32>,
    %get3A_166 = arith.constant 560 : index
    %get3A_167 = tpu.vector_load %arg6[%get3A_166] {strides = array<i32>} : memref<1024xf32, #tpu.memory_space<vmem>>, vector<16xf32>,
    %max3A_168 = arith.maximumf %get3A_161, %get3A_163 : vector<16xf32>
    %max3A_169 = arith.maximumf %get3A_165, %get3A_167 : vector<16xf32>
    %max3A_170 = arith.maximumf %max3A_168, %max3A_169 : vector<16xf32>
    %reduce_max3A_171 = arith.constant true
    %reduce_max3A_172 = vector.broadcast %reduce_max3A_171 : i1 to vector<16xi1>
    %reduce_max3A_173 = tpu.scan <max>, %max3A_170 masked %reduce_max3A_172 : vector<16xf32>, vector<16xi1> -> vector<16xf32>
    %reduce_max3A_174 = vector.extract %reduce_max3A_173[15] : f32 from vector<16xf32>
    %eq3A_175 = arith.constant 8 : i32
    %eq3A_176 = vector.broadcast %eq3A_175 : i32 to vector<16xi32>
    %eq3A_177 = arith.cmpi eq, %iota3A, %eq3A_176 : vector<16xi32>
    %broadcast_in_dim3A_178 = vector.broadcast %reduce_max3A_174 : f32 to vector<16xf32>
    %select_n3A_179 = arith.select %eq3A_177, %broadcast_in_dim3A_178, %select_n3A_159 : vector<16xi1>, vector<16xf32>
    %get3A_180 = arith.constant 576 : index
    %get3A_181 = tpu.vector_load %arg6[%get3A_180] {strides = array<i32>} : memref<1024xf32, #tpu.memory_space<vmem>>, vector<16xf32>,
    %get3A_182 = arith.constant 592 : index
    %get3A_183 = tpu.vector_load %arg6[%get3A_182] {strides = array<i32>} : memref<1024xf32, #tpu.memory_space<vmem>>, vector<16xf32>,
    %get3A_184 = arith.constant 608 : index
    %get3A_185 = tpu.vector_load %arg6[%get3A_184] {strides = array<i32>} : memref<1024xf32, #tpu.memory_space<vmem>>, vector<16xf32>,
    %get3A_186 = arith.constant 624 : index
    %get3A_187 = tpu.vector_load %arg6[%get3A_186] {strides = array<i32>} : memref<1024xf32, #tpu.memory_space<vmem>>, vector<16xf32>,
    %max3A_188 = arith.maximumf %get3A_181, %get3A_183 : vector<16xf32>
    %max3A_189 = arith.maximumf %get3A_185, %get3A_187 : vector<16xf32>
    %max3A_190 = arith.maximumf %max3A_188, %max3A_189 : vector<16xf32>
    %reduce_max3A_191 = arith.constant true
    %reduce_max3A_192 = vector.broadcast %reduce_max3A_191 : i1 to vector<16xi1>
    %reduce_max3A_193 = tpu.scan <max>, %max3A_190 masked %reduce_max3A_192 : vector<16xf32>, vector<16xi1> -> vector<16xf32>
    %reduce_max3A_194 = vector.extract %reduce_max3A_193[15] : f32 from vector<16xf32>
    %eq3A_195 = arith.constant 9 : i32
    %eq3A_196 = vector.broadcast %eq3A_195 : i32 to vector<16xi32>
    %eq3A_197 = arith.cmpi eq, %iota3A, %eq3A_196 : vector<16xi32>
    %broadcast_in_dim3A_198 = vector.broadcast %reduce_max3A_194 : f32 to vector<16xf32>
    %select_n3A_199 = arith.select %eq3A_197, %broadcast_in_dim3A_198, %select_n3A_179 : vector<16xi1>, vector<16xf32>
    %get3A_200 = arith.constant 640 : index
    %get3A_201 = tpu.vector_load %arg6[%get3A_200] {strides = array<i32>} : memref<1024xf32, #tpu.memory_space<vmem>>, vector<16xf32>,
    %get3A_202 = arith.constant 656 : index
    %get3A_203 = tpu.vector_load %arg6[%get3A_202] {strides = array<i32>} : memref<1024xf32, #tpu.memory_space<vmem>>, vector<16xf32>,
    %get3A_204 = arith.constant 672 : index
    %get3A_205 = tpu.vector_load %arg6[%get3A_204] {strides = array<i32>} : memref<1024xf32, #tpu.memory_space<vmem>>, vector<16xf32>,
    %get3A_206 = arith.constant 688 : index
    %get3A_207 = tpu.vector_load %arg6[%get3A_206] {strides = array<i32>} : memref<1024xf32, #tpu.memory_space<vmem>>, vector<16xf32>,
    %max3A_208 = arith.maximumf %get3A_201, %get3A_203 : vector<16xf32>
    %max3A_209 = arith.maximumf %get3A_205, %get3A_207 : vector<16xf32>
    %max3A_210 = arith.maximumf %max3A_208, %max3A_209 : vector<16xf32>
    %reduce_max3A_211 = arith.constant true
    %reduce_max3A_212 = vector.broadcast %reduce_max3A_211 : i1 to vector<16xi1>
    %reduce_max3A_213 = tpu.scan <max>, %max3A_210 masked %reduce_max3A_212 : vector<16xf32>, vector<16xi1> -> vector<16xf32>
    %reduce_max3A_214 = vector.extract %reduce_max3A_213[15] : f32 from vector<16xf32>
    %eq3A_215 = arith.constant 10 : i32
    %eq3A_216 = vector.broadcast %eq3A_215 : i32 to vector<16xi32>
    %eq3A_217 = arith.cmpi eq, %iota3A, %eq3A_216 : vector<16xi32>
    %broadcast_in_dim3A_218 = vector.broadcast %reduce_max3A_214 : f32 to vector<16xf32>
    %select_n3A_219 = arith.select %eq3A_217, %broadcast_in_dim3A_218, %select_n3A_199 : vector<16xi1>, vector<16xf32>
    %get3A_220 = arith.constant 704 : index
    %get3A_221 = tpu.vector_load %arg6[%get3A_220] {strides = array<i32>} : memref<1024xf32, #tpu.memory_space<vmem>>, vector<16xf32>,
    %get3A_222 = arith.constant 720 : index
    %get3A_223 = tpu.vector_load %arg6[%get3A_222] {strides = array<i32>} : memref<1024xf32, #tpu.memory_space<vmem>>, vector<16xf32>,
    %get3A_224 = arith.constant 736 : index
    %get3A_225 = tpu.vector_load %arg6[%get3A_224] {strides = array<i32>} : memref<1024xf32, #tpu.memory_space<vmem>>, vector<16xf32>,
    %get3A_226 = arith.constant 752 : index
    %get3A_227 = tpu.vector_load %arg6[%get3A_226] {strides = array<i32>} : memref<1024xf32, #tpu.memory_space<vmem>>, vector<16xf32>,
    %max3A_228 = arith.maximumf %get3A_221, %get3A_223 : vector<16xf32>
    %max3A_229 = arith.maximumf %get3A_225, %get3A_227 : vector<16xf32>
    %max3A_230 = arith.maximumf %max3A_228, %max3A_229 : vector<16xf32>
    %reduce_max3A_231 = arith.constant true
    %reduce_max3A_232 = vector.broadcast %reduce_max3A_231 : i1 to vector<16xi1>
    %reduce_max3A_233 = tpu.scan <max>, %max3A_230 masked %reduce_max3A_232 : vector<16xf32>, vector<16xi1> -> vector<16xf32>
    %reduce_max3A_234 = vector.extract %reduce_max3A_233[15] : f32 from vector<16xf32>
    %eq3A_235 = arith.constant 11 : i32
    %eq3A_236 = vector.broadcast %eq3A_235 : i32 to vector<16xi32>
    %eq3A_237 = arith.cmpi eq, %iota3A, %eq3A_236 : vector<16xi32>
    %broadcast_in_dim3A_238 = vector.broadcast %reduce_max3A_234 : f32 to vector<16xf32>
    %select_n3A_239 = arith.select %eq3A_237, %broadcast_in_dim3A_238, %select_n3A_219 : vector<16xi1>, vector<16xf32>
    %get3A_240 = arith.constant 768 : index
    %get3A_241 = tpu.vector_load %arg6[%get3A_240] {strides = array<i32>} : memref<1024xf32, #tpu.memory_space<vmem>>, vector<16xf32>,
    %get3A_242 = arith.constant 784 : index
    %get3A_243 = tpu.vector_load %arg6[%get3A_242] {strides = array<i32>} : memref<1024xf32, #tpu.memory_space<vmem>>, vector<16xf32>,
    %get3A_244 = arith.constant 800 : index
    %get3A_245 = tpu.vector_load %arg6[%get3A_244] {strides = array<i32>} : memref<1024xf32, #tpu.memory_space<vmem>>, vector<16xf32>,
    %get3A_246 = arith.constant 816 : index
    %get3A_247 = tpu.vector_load %arg6[%get3A_246] {strides = array<i32>} : memref<1024xf32, #tpu.memory_space<vmem>>, vector<16xf32>,
    %max3A_248 = arith.maximumf %get3A_241, %get3A_243 : vector<16xf32>
    %max3A_249 = arith.maximumf %get3A_245, %get3A_247 : vector<16xf32>
    %max3A_250 = arith.maximumf %max3A_248, %max3A_249 : vector<16xf32>
    %reduce_max3A_251 = arith.constant true
    %reduce_max3A_252 = vector.broadcast %reduce_max3A_251 : i1 to vector<16xi1>
    %reduce_max3A_253 = tpu.scan <max>, %max3A_250 masked %reduce_max3A_252 : vector<16xf32>, vector<16xi1> -> vector<16xf32>
    %reduce_max3A_254 = vector.extract %reduce_max3A_253[15] : f32 from vector<16xf32>
    %eq3A_255 = arith.constant 12 : i32
    %eq3A_256 = vector.broadcast %eq3A_255 : i32 to vector<16xi32>
    %eq3A_257 = arith.cmpi eq, %iota3A, %eq3A_256 : vector<16xi32>
    %broadcast_in_dim3A_258 = vector.broadcast %reduce_max3A_254 : f32 to vector<16xf32>
    %select_n3A_259 = arith.select %eq3A_257, %broadcast_in_dim3A_258, %select_n3A_239 : vector<16xi1>, vector<16xf32>
    %get3A_260 = arith.constant 832 : index
    %get3A_261 = tpu.vector_load %arg6[%get3A_260] {strides = array<i32>} : memref<1024xf32, #tpu.memory_space<vmem>>, vector<16xf32>,
    %get3A_262 = arith.constant 848 : index
    %get3A_263 = tpu.vector_load %arg6[%get3A_262] {strides = array<i32>} : memref<1024xf32, #tpu.memory_space<vmem>>, vector<16xf32>,
    %get3A_264 = arith.constant 864 : index
    %get3A_265 = tpu.vector_load %arg6[%get3A_264] {strides = array<i32>} : memref<1024xf32, #tpu.memory_space<vmem>>, vector<16xf32>,
    %get3A_266 = arith.constant 880 : index
    %get3A_267 = tpu.vector_load %arg6[%get3A_266] {strides = array<i32>} : memref<1024xf32, #tpu.memory_space<vmem>>, vector<16xf32>,
    %max3A_268 = arith.maximumf %get3A_261, %get3A_263 : vector<16xf32>
    %max3A_269 = arith.maximumf %get3A_265, %get3A_267 : vector<16xf32>
    %max3A_270 = arith.maximumf %max3A_268, %max3A_269 : vector<16xf32>
    %reduce_max3A_271 = arith.constant true
    %reduce_max3A_272 = vector.broadcast %reduce_max3A_271 : i1 to vector<16xi1>
    %reduce_max3A_273 = tpu.scan <max>, %max3A_270 masked %reduce_max3A_272 : vector<16xf32>, vector<16xi1> -> vector<16xf32>
    %reduce_max3A_274 = vector.extract %reduce_max3A_273[15] : f32 from vector<16xf32>
    %eq3A_275 = arith.constant 13 : i32
    %eq3A_276 = vector.broadcast %eq3A_275 : i32 to vector<16xi32>
    %eq3A_277 = arith.cmpi eq, %iota3A, %eq3A_276 : vector<16xi32>
    %broadcast_in_dim3A_278 = vector.broadcast %reduce_max3A_274 : f32 to vector<16xf32>
    %select_n3A_279 = arith.select %eq3A_277, %broadcast_in_dim3A_278, %select_n3A_259 : vector<16xi1>, vector<16xf32>
    %get3A_280 = arith.constant 896 : index
    %get3A_281 = tpu.vector_load %arg6[%get3A_280] {strides = array<i32>} : memref<1024xf32, #tpu.memory_space<vmem>>, vector<16xf32>,
    %get3A_282 = arith.constant 912 : index
    %get3A_283 = tpu.vector_load %arg6[%get3A_282] {strides = array<i32>} : memref<1024xf32, #tpu.memory_space<vmem>>, vector<16xf32>,
    %get3A_284 = arith.constant 928 : index
    %get3A_285 = tpu.vector_load %arg6[%get3A_284] {strides = array<i32>} : memref<1024xf32, #tpu.memory_space<vmem>>, vector<16xf32>,
    %get3A_286 = arith.constant 944 : index
    %get3A_287 = tpu.vector_load %arg6[%get3A_286] {strides = array<i32>} : memref<1024xf32, #tpu.memory_space<vmem>>, vector<16xf32>,
    %max3A_288 = arith.maximumf %get3A_281, %get3A_283 : vector<16xf32>
    %max3A_289 = arith.maximumf %get3A_285, %get3A_287 : vector<16xf32>
    %max3A_290 = arith.maximumf %max3A_288, %max3A_289 : vector<16xf32>
    %reduce_max3A_291 = arith.constant true
    %reduce_max3A_292 = vector.broadcast %reduce_max3A_291 : i1 to vector<16xi1>
    %reduce_max3A_293 = tpu.scan <max>, %max3A_290 masked %reduce_max3A_292 : vector<16xf32>, vector<16xi1> -> vector<16xf32>
    %reduce_max3A_294 = vector.extract %reduce_max3A_293[15] : f32 from vector<16xf32>
    %eq3A_295 = arith.constant 14 : i32
    %eq3A_296 = vector.broadcast %eq3A_295 : i32 to vector<16xi32>
    %eq3A_297 = arith.cmpi eq, %iota3A, %eq3A_296 : vector<16xi32>
    %broadcast_in_dim3A_298 = vector.broadcast %reduce_max3A_294 : f32 to vector<16xf32>
    %select_n3A_299 = arith.select %eq3A_297, %broadcast_in_dim3A_298, %select_n3A_279 : vector<16xi1>, vector<16xf32>
    %get3A_300 = arith.constant 960 : index
    %get3A_301 = tpu.vector_load %arg6[%get3A_300] {strides = array<i32>} : memref<1024xf32, #tpu.memory_space<vmem>>, vector<16xf32>,
    %get3A_302 = arith.constant 976 : index
    %get3A_303 = tpu.vector_load %arg6[%get3A_302] {strides = array<i32>} : memref<1024xf32, #tpu.memory_space<vmem>>, vector<16xf32>,
    %get3A_304 = arith.constant 992 : index
    %get3A_305 = tpu.vector_load %arg6[%get3A_304] {strides = array<i32>} : memref<1024xf32, #tpu.memory_space<vmem>>, vector<16xf32>,
    %get3A_306 = arith.constant 1008 : index
    %get3A_307 = tpu.vector_load %arg6[%get3A_306] {strides = array<i32>} : memref<1024xf32, #tpu.memory_space<vmem>>, vector<16xf32>,
    %max3A_308 = arith.maximumf %get3A_301, %get3A_303 : vector<16xf32>
    %max3A_309 = arith.maximumf %get3A_305, %get3A_307 : vector<16xf32>
    %max3A_310 = arith.maximumf %max3A_308, %max3A_309 : vector<16xf32>
    %reduce_max3A_311 = arith.constant true
    %reduce_max3A_312 = vector.broadcast %reduce_max3A_311 : i1 to vector<16xi1>
    %reduce_max3A_313 = tpu.scan <max>, %max3A_310 masked %reduce_max3A_312 : vector<16xf32>, vector<16xi1> -> vector<16xf32>
    %reduce_max3A_314 = vector.extract %reduce_max3A_313[15] : f32 from vector<16xf32>
    %eq3A_315 = arith.constant 15 : i32
    %eq3A_316 = vector.broadcast %eq3A_315 : i32 to vector<16xi32>
    %eq3A_317 = arith.cmpi eq, %iota3A, %eq3A_316 : vector<16xi32>
    %broadcast_in_dim3A_318 = vector.broadcast %reduce_max3A_314 : f32 to vector<16xf32>
    %select_n3A_319 = arith.select %eq3A_317, %broadcast_in_dim3A_318, %select_n3A_299 : vector<16xi1>, vector<16xf32>
    %mul3A_320 = arith.constant 1024 : i32
    %mul3A_321 = arith.muli %add3A, %mul3A_320 : i32
    %scan3A = arith.constant 0 : i32
    %scan3A_322 = arith.constant 128 : i32
    %scan3A_323 = arith.addi %scan3A, %scan3A_322 : i32
    %scan3A_324 = arith.constant 1 : i32
    %scan3A_325 = scf.for %scan3A_331 = %scan3A to %scan3A_323 step %scan3A_324 iter_args(%scan3A_332 = %select_n3A_319) -> (vector<16xf32>)  : i32 {
      %reduce_max3A_333 = arith.constant true
      %reduce_max3A_334 = vector.broadcast %reduce_max3A_333 : i1 to vector<16xi1>
      %reduce_max3A_335 = tpu.scan <max>, %scan3A_332 masked %reduce_max3A_334 : vector<16xf32>, vector<16xi1> -> vector<16xf32>
      %reduce_max3A_336 = vector.extract %reduce_max3A_335[15] : f32 from vector<16xf32>
      %broadcast_in_dim3A_337 = vector.broadcast %reduce_max3A_336 : f32 to vector<16xf32>
      %eq3A_338 = arith.cmpf oeq, %scan3A_332, %broadcast_in_dim3A_337 : vector<16xf32>
      %all_reduce_ffs3A = tpu.all_reduce %eq3A_338 {dim = 0 : i64, kind = #tpu.reduction_kind<find_first_set>} : vector<16xi1> -> vector<16xi32>
      %mul3A_339 = arith.constant 64 : i32
      %mul3A_340 = vector.broadcast %mul3A_339 : i32 to vector<16xi32>
      %mul3A_341 = arith.muli %all_reduce_ffs3A, %mul3A_340 : vector<16xi32>
      %add3A_342 = arith.addi %mul3A_341, %iota3A : vector<16xi32>
      %gather3A = tpu.vector_load_idx %arg6[%add3A_342] : memref<1024xf32, #tpu.memory_space<vmem>>[vector<16xi32>], vector<16xf32>,
      %mul3A_343 = arith.constant 64 : i32
      %mul3A_344 = vector.broadcast %mul3A_343 : i32 to vector<16xi32>
      %mul3A_345 = arith.muli %all_reduce_ffs3A, %mul3A_344 : vector<16xi32>
      %add3A_346 = arith.constant 16 : i32
      %add3A_347 = vector.broadcast %add3A_346 : i32 to vector<16xi32>
      %add3A_348 = arith.addi %mul3A_345, %add3A_347 : vector<16xi32>
      %add3A_349 = arith.addi %add3A_348, %iota3A : vector<16xi32>
      %gather3A_350 = tpu.vector_load_idx %arg6[%add3A_349] : memref<1024xf32, #tpu.memory_space<vmem>>[vector<16xi32>], vector<16xf32>,
      %mul3A_351 = arith.constant 64 : i32
      %mul3A_352 = vector.broadcast %mul3A_351 : i32 to vector<16xi32>
      %mul3A_353 = arith.muli %all_reduce_ffs3A, %mul3A_352 : vector<16xi32>
      %add3A_354 = arith.constant 32 : i32
      %add3A_355 = vector.broadcast %add3A_354 : i32 to vector<16xi32>
      %add3A_356 = arith.addi %mul3A_353, %add3A_355 : vector<16xi32>
      %add3A_357 = arith.addi %add3A_356, %iota3A : vector<16xi32>
      %gather3A_358 = tpu.vector_load_idx %arg6[%add3A_357] : memref<1024xf32, #tpu.memory_space<vmem>>[vector<16xi32>], vector<16xf32>,
      %mul3A_359 = arith.constant 64 : i32
      %mul3A_360 = vector.broadcast %mul3A_359 : i32 to vector<16xi32>
      %mul3A_361 = arith.muli %all_reduce_ffs3A, %mul3A_360 : vector<16xi32>
      %add3A_362 = arith.constant 48 : i32
      %add3A_363 = vector.broadcast %add3A_362 : i32 to vector<16xi32>
      %add3A_364 = arith.addi %mul3A_361, %add3A_363 : vector<16xi32>
      %add3A_365 = arith.addi %add3A_364, %iota3A : vector<16xi32>
      %gather3A_366 = tpu.vector_load_idx %arg6[%add3A_365] : memref<1024xf32, #tpu.memory_space<vmem>>[vector<16xi32>], vector<16xf32>,
      %eq3A_367 = arith.cmpf oeq, %gather3A, %broadcast_in_dim3A_337 : vector<16xf32>
      %eq3A_368 = arith.cmpf oeq, %gather3A_350, %broadcast_in_dim3A_337 : vector<16xf32>
      %eq3A_369 = arith.cmpf oeq, %gather3A_358, %broadcast_in_dim3A_337 : vector<16xf32>
      %eq3A_370 = arith.cmpf oeq, %gather3A_366, %broadcast_in_dim3A_337 : vector<16xf32>
      %all_reduce_population_count3A = tpu.all_reduce %eq3A_367 {dim = 0 : i64, kind = #tpu.reduction_kind<sum>} : vector<16xi1> -> vector<16xi32>
      %all_reduce_population_count3A_371 = tpu.all_reduce %eq3A_368 {dim = 0 : i64, kind = #tpu.reduction_kind<sum>} : vector<16xi1> -> vector<16xi32>
      %all_reduce_population_count3A_372 = tpu.all_reduce %eq3A_369 {dim = 0 : i64, kind = #tpu.reduction_kind<sum>} : vector<16xi1> -> vector<16xi32>
      %all_reduce_ffs3A_373 = tpu.all_reduce %eq3A_367 {dim = 0 : i64, kind = #tpu.reduction_kind<find_first_set>} : vector<16xi1> -> vector<16xi32>
      %all_reduce_ffs3A_374 = tpu.all_reduce %eq3A_368 {dim = 0 : i64, kind = #tpu.reduction_kind<find_first_set>} : vector<16xi1> -> vector<16xi32>
      %all_reduce_ffs3A_375 = tpu.all_reduce %eq3A_369 {dim = 0 : i64, kind = #tpu.reduction_kind<find_first_set>} : vector<16xi1> -> vector<16xi32>
      %all_reduce_ffs3A_376 = tpu.all_reduce %eq3A_370 {dim = 0 : i64, kind = #tpu.reduction_kind<find_first_set>} : vector<16xi1> -> vector<16xi32>
      %gt3A = arith.constant 0 : i32
      %gt3A_377 = vector.broadcast %gt3A : i32 to vector<16xi32>
      %gt3A_378 = arith.cmpi sgt, %all_reduce_population_count3A, %gt3A_377 : vector<16xi32>
      %not3A = arith.constant dense<true> : vector<16xi1>
      %not3A_379 = arith.xori %gt3A_378, %not3A : vector<16xi1>
      %gt3A_380 = arith.constant 0 : i32
      %gt3A_381 = vector.broadcast %gt3A_380 : i32 to vector<16xi32>
      %gt3A_382 = arith.cmpi sgt, %all_reduce_population_count3A_371, %gt3A_381 : vector<16xi32>
      %and3A = arith.andi %not3A_379, %gt3A_382 : vector<16xi1>
      %or3A = arith.ori %gt3A_378, %and3A : vector<16xi1>
      %not3A_383 = arith.constant dense<true> : vector<16xi1>
      %not3A_384 = arith.xori %or3A, %not3A_383 : vector<16xi1>
      %gt3A_385 = arith.constant 0 : i32
      %gt3A_386 = vector.broadcast %gt3A_385 : i32 to vector<16xi32>
      %gt3A_387 = arith.cmpi sgt, %all_reduce_population_count3A_372, %gt3A_386 : vector<16xi32>
      %and3A_388 = arith.andi %not3A_384, %gt3A_387 : vector<16xi1>
      %or3A_389 = arith.ori %gt3A_378, %and3A : vector<16xi1>
      %or3A_390 = arith.ori %or3A_389, %and3A_388 : vector<16xi1>
      %not3A_391 = arith.constant dense<true> : vector<16xi1>
      %not3A_392 = arith.xori %or3A_390, %not3A_391 : vector<16xi1>
      %jit3A = arith.constant 32 : i32
      %jit3A_393 = arith.constant 48 : i32
      %broadcast_in_dim3A_394 = vector.broadcast %jit3A : i32 to vector<16xi32>
      %broadcast_in_dim3A_395 = vector.broadcast %jit3A_393 : i32 to vector<16xi32>
      %select_n3A_396 = arith.select %and3A_388, %broadcast_in_dim3A_394, %broadcast_in_dim3A_395 : vector<16xi1>, vector<16xi32>
      %jit3A_397 = arith.constant 16 : i32
      %broadcast_in_dim3A_398 = vector.broadcast %jit3A_397 : i32 to vector<16xi32>
      %select_n3A_399 = arith.select %and3A, %broadcast_in_dim3A_398, %select_n3A_396 : vector<16xi1>, vector<16xi32>
      %jit3A_400 = arith.constant 0 : i32
      %broadcast_in_dim3A_401 = vector.broadcast %jit3A_400 : i32 to vector<16xi32>
      %select_n3A_402 = arith.select %gt3A_378, %broadcast_in_dim3A_401, %select_n3A_399 : vector<16xi1>, vector<16xi32>
      %select_n3A_403 = arith.select %and3A_388, %all_reduce_ffs3A_375, %all_reduce_ffs3A_376 : vector<16xi1>, vector<16xi32>
      %select_n3A_404 = arith.select %and3A, %all_reduce_ffs3A_374, %select_n3A_403 : vector<16xi1>, vector<16xi32>
      %select_n3A_405 = arith.select %gt3A_378, %all_reduce_ffs3A_373, %select_n3A_404 : vector<16xi1>, vector<16xi32>
      %mul3A_406 = arith.constant 64 : i32
      %mul3A_407 = vector.broadcast %mul3A_406 : i32 to vector<16xi32>
      %mul3A_408 = arith.muli %all_reduce_ffs3A, %mul3A_407 : vector<16xi32>
      %add3A_409 = arith.addi %mul3A_408, %select_n3A_402 : vector<16xi32>
      %add3A_410 = arith.addi %add3A_409, %select_n3A_405 : vector<16xi32>
      %broadcast_in_dim3A_411 = vector.broadcast %scan3A_331 : i32 to vector<16xi32>
      %add3A_412 = vector.broadcast %mul3A_321 : i32 to vector<16xi32>
      %add3A_413 = arith.addi %add3A_410, %add3A_412 : vector<16xi32>
      tpu.vector_store_idx %arg7[%broadcast_in_dim3A_411], %add3A_413 masked %eq3A_2 : memref<128xi32, #tpu.memory_space<vmem>>[vector<16xi32>], vector<16xi32>, vector<16xi1>
      tpu.vector_store_idx %arg6[%add3A_410], %broadcast_in_dim3A_3 masked %eq3A_2 : memref<1024xf32, #tpu.memory_space<vmem>>[vector<16xi32>], vector<16xf32>, vector<16xi1>
      %eq3A_414 = arith.cmpi eq, %iota3A, %select_n3A_405 : vector<16xi32>
      %and3A_415 = arith.andi %gt3A_378, %eq3A_414 : vector<16xi1>
      %select_n3A_416 = arith.select %and3A_415, %broadcast_in_dim3A_3, %gather3A : vector<16xi1>, vector<16xf32>
      %eq3A_417 = arith.cmpi eq, %iota3A, %select_n3A_405 : vector<16xi32>
      %and3A_418 = arith.andi %and3A, %eq3A_417 : vector<16xi1>
      %select_n3A_419 = arith.select %and3A_418, %broadcast_in_dim3A_3, %gather3A_350 : vector<16xi1>, vector<16xf32>
      %eq3A_420 = arith.cmpi eq, %iota3A, %select_n3A_405 : vector<16xi32>
      %and3A_421 = arith.andi %and3A_388, %eq3A_420 : vector<16xi1>
      %select_n3A_422 = arith.select %and3A_421, %broadcast_in_dim3A_3, %gather3A_358 : vector<16xi1>, vector<16xf32>
      %eq3A_423 = arith.cmpi eq, %iota3A, %select_n3A_405 : vector<16xi32>
      %and3A_424 = arith.andi %not3A_392, %eq3A_423 : vector<16xi1>
      %select_n3A_425 = arith.select %and3A_424, %broadcast_in_dim3A_3, %gather3A_366 : vector<16xi1>, vector<16xf32>
      %max3A_426 = arith.maximumf %select_n3A_416, %select_n3A_419 : vector<16xf32>
      %max3A_427 = arith.maximumf %select_n3A_422, %select_n3A_425 : vector<16xf32>
      %max3A_428 = arith.maximumf %max3A_426, %max3A_427 : vector<16xf32>
      %reduce_max3A_429 = arith.constant true
      %reduce_max3A_430 = vector.broadcast %reduce_max3A_429 : i1 to vector<16xi1>
      %reduce_max3A_431 = tpu.scan <max>, %max3A_428 masked %reduce_max3A_430 : vector<16xf32>, vector<16xi1> -> vector<16xf32>
      %reduce_max3A_432 = vector.extract %reduce_max3A_431[15] : f32 from vector<16xf32>
      %eq3A_433 = arith.cmpi eq, %iota3A, %all_reduce_ffs3A : vector<16xi32>
      %broadcast_in_dim3A_434 = vector.broadcast %reduce_max3A_432 : f32 to vector<16xf32>
      %select_n3A_435 = arith.select %eq3A_433, %broadcast_in_dim3A_434, %scan3A_332 : vector<16xi1>, vector<16xf32>
      scf.yield %select_n3A_435 : vector<16xf32>
    }
    %scan3A_326 = arith.constant 128 : i32
    %dma_start3A = arith.constant 0 : i32
    %dma_start3A_327 = arith.constant 0 : i32
    %dma_start3A_328 = tpu.memref_slice %arg3[%dma_start3A, %dma_start3A_327] : memref<32768x768xf32, #tpu.memory_space<hbm>> -> memref<32768x768xf32, #tpu.memory_space<hbm>>
    tpu.enqueue_indirect_dma source(%dma_start3A_328 : memref<32768x768xf32, #tpu.memory_space<hbm>>) target(%arg8 : memref<128x768xf32, #tpu.memory_space<vmem>>) offsets(%arg7 : memref<128xi32, #tpu.memory_space<vmem>>) semaphore(%arg10 : memref<!tpu.dma_semaphore, #tpu.memory_space<semaphore_mem>>)
    %dma_wait3A = arith.constant 0 : i32
    %dma_wait3A_329 = arith.constant 0 : i32
    %dma_wait3A_330 = tpu.memref_slice %arg3[%dma_wait3A, %dma_wait3A_329] : memref<32768x768xf32, #tpu.memory_space<hbm>> -> memref<32768x768xf32, #tpu.memory_space<hbm>>
    tpu.wait_indirect_dma semaphore(%arg10 : memref<!tpu.dma_semaphore, #tpu.memory_space<semaphore_mem>>) src(%dma_wait3A_330 : memref<32768x768xf32, #tpu.memory_space<hbm>>) dst(%arg8 : memref<128x768xf32, #tpu.memory_space<vmem>>)
    "tpu.region"() ({
      %run_scoped3A = tpu.sem_alloc : memref<!tpu.dma_semaphore, #tpu.memory_space<semaphore_mem>>
      %dma_start3A_331 = arith.constant 0 : i32
      %dma_start3A_332 = arith.constant 0 : i32
      %dma_start3A_333 = tpu.memref_slice %arg5[%add3A, %dma_start3A_331, %dma_start3A_332] : memref<32x128x1024xf32, #tpu.memory_space<hbm>> -> memref<1x128x768xf32, #tpu.memory_space<hbm>>
      %dma_start3A_334 = tpu.memref_squeeze %dma_start3A_333 : memref<1x128x768xf32, #tpu.memory_space<hbm>> -> memref<128x768xf32, #tpu.memory_space<hbm>>
      %dma_start3A_335 = arith.constant 0 : i32
      %dma_start3A_336 = arith.constant 0 : i32
      %dma_start3A_337 = tpu.memref_slice %arg5[%add3A, %dma_start3A_335, %dma_start3A_336] : memref<32x128x1024xf32, #tpu.memory_space<hbm>> -> memref<1x128x768xf32, #tpu.memory_space<hbm>>
      %dma_start3A_338 = tpu.memref_squeeze %dma_start3A_337 : memref<1x128x768xf32, #tpu.memory_space<hbm>> -> memref<128x768xf32, #tpu.memory_space<hbm>>
      tpu.enqueue_dma source(%arg8 : memref<128x768xf32, #tpu.memory_space<vmem>>) target(%dma_start3A_338 : memref<128x768xf32, #tpu.memory_space<hbm>>) target_semaphore(%run_scoped3A : memref<!tpu.dma_semaphore, #tpu.memory_space<semaphore_mem>>)
      %dma_wait3A_339 = arith.constant 0 : i32
      %dma_wait3A_340 = arith.constant 0 : i32
      %dma_wait3A_341 = tpu.memref_slice %arg5[%add3A, %dma_wait3A_339, %dma_wait3A_340] : memref<32x128x1024xf32, #tpu.memory_space<hbm>> -> memref<1x128x768xf32, #tpu.memory_space<hbm>>
      %dma_wait3A_342 = tpu.memref_squeeze %dma_wait3A_341 : memref<1x128x768xf32, #tpu.memory_space<hbm>> -> memref<128x768xf32, #tpu.memory_space<hbm>>
      %dma_wait3A_343 = arith.constant 0 : i32
      %dma_wait3A_344 = arith.constant 0 : i32
      %dma_wait3A_345 = tpu.memref_slice %arg5[%add3A, %dma_wait3A_343, %dma_wait3A_344] : memref<32x128x1024xf32, #tpu.memory_space<hbm>> -> memref<1x128x768xf32, #tpu.memory_space<hbm>>
      %dma_wait3A_346 = tpu.memref_squeeze %dma_wait3A_345 : memref<1x128x768xf32, #tpu.memory_space<hbm>> -> memref<128x768xf32, #tpu.memory_space<hbm>>
      tpu.wait_dma2 semaphore(%run_scoped3A : memref<!tpu.dma_semaphore, #tpu.memory_space<semaphore_mem>>) src(%arg8 : memref<128x768xf32, #tpu.memory_space<vmem>>) dst(%dma_wait3A_346 : memref<128x768xf32, #tpu.memory_space<hbm>>)
      tpu.yield
    }) : () -> ()
    "tpu.region"() ({
      %run_scoped3A = tpu.sem_alloc : memref<!tpu.dma_semaphore, #tpu.memory_space<semaphore_mem>>
      %dma_start3A_331 = arith.constant 0 : i32
      %dma_start3A_332 = arith.constant 768 : i32
      %dma_start3A_333 = tpu.memref_slice %arg5[%add3A, %dma_start3A_331, %dma_start3A_332] : memref<32x128x1024xf32, #tpu.memory_space<hbm>> -> memref<1x64x256xf32, #tpu.memory_space<hbm>>
      %dma_start3A_334 = tpu.memref_squeeze %dma_start3A_333 : memref<1x64x256xf32, #tpu.memory_space<hbm>> -> memref<64x256xf32, #tpu.memory_space<hbm>>
      %dma_start3A_335 = arith.constant 0 : i32
      %dma_start3A_336 = arith.constant 768 : i32
      %dma_start3A_337 = tpu.memref_slice %arg5[%add3A, %dma_start3A_335, %dma_start3A_336] : memref<32x128x1024xf32, #tpu.memory_space<hbm>> -> memref<1x64x256xf32, #tpu.memory_space<hbm>>
      %dma_start3A_338 = tpu.memref_squeeze %dma_start3A_337 : memref<1x64x256xf32, #tpu.memory_space<hbm>> -> memref<64x256xf32, #tpu.memory_space<hbm>>
      tpu.enqueue_dma source(%arg9 : memref<64x256xf32, #tpu.memory_space<vmem>>) target(%dma_start3A_338 : memref<64x256xf32, #tpu.memory_space<hbm>>) target_semaphore(%run_scoped3A : memref<!tpu.dma_semaphore, #tpu.memory_space<semaphore_mem>>)
      %dma_wait3A_339 = arith.constant 0 : i32
      %dma_wait3A_340 = arith.constant 768 : i32
      %dma_wait3A_341 = tpu.memref_slice %arg5[%add3A, %dma_wait3A_339, %dma_wait3A_340] : memref<32x128x1024xf32, #tpu.memory_space<hbm>> -> memref<1x64x256xf32, #tpu.memory_space<hbm>>
      %dma_wait3A_342 = tpu.memref_squeeze %dma_wait3A_341 : memref<1x64x256xf32, #tpu.memory_space<hbm>> -> memref<64x256xf32, #tpu.memory_space<hbm>>
      %dma_wait3A_343 = arith.constant 0 : i32
      %dma_wait3A_344 = arith.constant 768 : i32
      %dma_wait3A_345 = tpu.memref_slice %arg5[%add3A, %dma_wait3A_343, %dma_wait3A_344] : memref<32x128x1024xf32, #tpu.memory_space<hbm>> -> memref<1x64x256xf32, #tpu.memory_space<hbm>>
      %dma_wait3A_346 = tpu.memref_squeeze %dma_wait3A_345 : memref<1x64x256xf32, #tpu.memory_space<hbm>> -> memref<64x256xf32, #tpu.memory_space<hbm>>
      tpu.wait_dma2 semaphore(%run_scoped3A : memref<!tpu.dma_semaphore, #tpu.memory_space<semaphore_mem>>) src(%arg9 : memref<64x256xf32, #tpu.memory_space<vmem>>) dst(%dma_wait3A_346 : memref<64x256xf32, #tpu.memory_space<hbm>>)
      tpu.yield
    }) : () -> ()
    "tpu.region"() ({
      %run_scoped3A = tpu.sem_alloc : memref<!tpu.dma_semaphore, #tpu.memory_space<semaphore_mem>>
      %dma_start3A_331 = arith.constant 64 : i32
      %dma_start3A_332 = arith.constant 768 : i32
      %dma_start3A_333 = tpu.memref_slice %arg5[%add3A, %dma_start3A_331, %dma_start3A_332] : memref<32x128x1024xf32, #tpu.memory_space<hbm>> -> memref<1x64x256xf32, #tpu.memory_space<hbm>>
      %dma_start3A_334 = tpu.memref_squeeze %dma_start3A_333 : memref<1x64x256xf32, #tpu.memory_space<hbm>> -> memref<64x256xf32, #tpu.memory_space<hbm>>
      %dma_start3A_335 = arith.constant 64 : i32
      %dma_start3A_336 = arith.constant 768 : i32
      %dma_start3A_337 = tpu.memref_slice %arg5[%add3A, %dma_start3A_335, %dma_start3A_336] : memref<32x128x1024xf32, #tpu.memory_space<hbm>> -> memref<1x64x256xf32, #tpu.memory_space<hbm>>
      %dma_start3A_338 = tpu.memref_squeeze %dma_start3A_337 : memref<1x64x256xf32, #tpu.memory_space<hbm>> -> memref<64x256xf32, #tpu.memory_space<hbm>>
      tpu.enqueue_dma source(%arg9 : memref<64x256xf32, #tpu.memory_space<vmem>>) target(%dma_start3A_338 : memref<64x256xf32, #tpu.memory_space<hbm>>) target_semaphore(%run_scoped3A : memref<!tpu.dma_semaphore, #tpu.memory_space<semaphore_mem>>)
      %dma_wait3A_339 = arith.constant 64 : i32
      %dma_wait3A_340 = arith.constant 768 : i32
      %dma_wait3A_341 = tpu.memref_slice %arg5[%add3A, %dma_wait3A_339, %dma_wait3A_340] : memref<32x128x1024xf32, #tpu.memory_space<hbm>> -> memref<1x64x256xf32, #tpu.memory_space<hbm>>
      %dma_wait3A_342 = tpu.memref_squeeze %dma_wait3A_341 : memref<1x64x256xf32, #tpu.memory_space<hbm>> -> memref<64x256xf32, #tpu.memory_space<hbm>>
      %dma_wait3A_343 = arith.constant 64 : i32
      %dma_wait3A_344 = arith.constant 768 : i32
      %dma_wait3A_345 = tpu.memref_slice %arg5[%add3A, %dma_wait3A_343, %dma_wait3A_344] : memref<32x128x1024xf32, #tpu.memory_space<hbm>> -> memref<1x64x256xf32, #tpu.memory_space<hbm>>
      %dma_wait3A_346 = tpu.memref_squeeze %dma_wait3A_345 : memref<1x64x256xf32, #tpu.memory_space<hbm>> -> memref<64x256xf32, #tpu.memory_space<hbm>>
      tpu.wait_dma2 semaphore(%run_scoped3A : memref<!tpu.dma_semaphore, #tpu.memory_space<semaphore_mem>>) src(%arg9 : memref<64x256xf32, #tpu.memory_space<vmem>>) dst(%dma_wait3A_346 : memref<64x256xf32, #tpu.memory_space<hbm>>)
      tpu.yield
    }) : () -> ()
    return
  }
}

module attributes {stable_mosaic.version = 14 : i64} {
  func.func @_scorer_body(%arg0: i32, %arg1: memref<1x1024x768xf32, #tpu.memory_space<vmem>>, %arg2: memref<1000x768xf32, #tpu.memory_space<vmem>>, %arg3: memref<1x1000xf32, #tpu.memory_space<vmem>>, %arg4: memref<1x1x1000xf32, #tpu.memory_space<vmem>>, %arg5: memref<1x1x1024xf32, #tpu.memory_space<vmem>>) attributes {dimension_semantics = [#tpu.dimension_semantics<arbitrary>], iteration_bounds = array<i64: 32>, scalar_prefetch = 0 : i64, scratch_operands = 0 : i64, tpu.core_type = #tpu.core_type<tc>, window_params = [{transform_indices = @transform_0, window_bounds = array<i64: 1, 1024, 768>}, {pipeline_mode = #tpu.pipeline_mode<synchronous>, transform_indices = @transform_1, window_bounds = array<i64: 1000, 768>}, {pipeline_mode = #tpu.pipeline_mode<synchronous>, transform_indices = @transform_2, window_bounds = array<i64: 1, 1000>}, {transform_indices = @transform_3, window_bounds = array<i64: 1, 1, 1000>}, {transform_indices = @transform_4, window_bounds = array<i64: 1, 1, 1024>}]} {
    %get3A = arith.constant 0 : index
    %get3A_0 = arith.constant 0 : index
    %get3A_1 = arith.constant 0 : index
    %get3A_2 = vector.load %arg1[%get3A, %get3A_0, %get3A_1] : memref<1x1024x768xf32, #tpu.memory_space<vmem>>, vector<1x1024x768xf32>
    %get3A_3 = vector.shape_cast %get3A_2 : vector<1x1024x768xf32> to vector<1024x768xf32>
    %get3A_4 = arith.constant 0 : index
    %get3A_5 = arith.constant 0 : index
    %get3A_6 = vector.load %arg2[%get3A_4, %get3A_5] : memref<1000x768xf32, #tpu.memory_space<vmem>>, vector<1000x768xf32>
    %dot_general3A = arith.constant dense<0.000000e+00> : vector<1024x1000xf32>
    %dot_general3A_7 = tpu.matmul %get3A_3, %get3A_6, %dot_general3A {dimension_numbers = #tpu.dot_dimension_numbers<[1], [1], [0], [0], [0, 0, 1, 0], [], []>, transpose_lhs_hint = false} : vector<1024x768xf32>, vector<1000x768xf32>, vector<1024x1000xf32> -> vector<1024x1000xf32>
    %get3A_8 = arith.constant 0 : index
    %get3A_9 = arith.constant 0 : index
    %get3A_10 = vector.load %arg3[%get3A_8, %get3A_9] : memref<1x1000xf32, #tpu.memory_space<vmem>>, vector<1x1000xf32>
    %add3A = vector.broadcast %get3A_10 : vector<1x1000xf32> to vector<1024x1000xf32>
    %add3A_11 = arith.addf %dot_general3A_7, %add3A : vector<1024x1000xf32>
    %reduce_max3A = arith.constant dense<0xFF800000> : vector<1024xf32>
    %reduce_max3A_12 = vector.multi_reduction <maximumf>, %add3A_11, %reduce_max3A [1] : vector<1024x1000xf32> to vector<1024xf32>
    %broadcast_in_dim3A = vector.shape_cast %reduce_max3A_12 : vector<1024xf32> to vector<1024x1xf32>
    %sub3A = vector.broadcast %broadcast_in_dim3A : vector<1024x1xf32> to vector<1024x1000xf32>
    %sub3A_13 = arith.subf %add3A_11, %sub3A : vector<1024x1000xf32>
    %exp3A = math.exp %sub3A_13 : vector<1024x1000xf32>
    %reduce_sum3A = arith.constant dense<0.000000e+00> : vector<1024xf32>
    %reduce_sum3A_14 = vector.multi_reduction <add>, %exp3A, %reduce_sum3A [1] : vector<1024x1000xf32> to vector<1024xf32>
    %div3A = arith.constant 1.000000e+00 : f32
    %div3A_15 = vector.broadcast %div3A : f32 to vector<1024xf32>
    %div3A_16 = arith.divf %div3A_15, %reduce_sum3A_14 : vector<1024xf32>
    %broadcast_in_dim3A_17 = vector.shape_cast %div3A_16 : vector<1024xf32> to vector<1x1x1024xf32>
    %swap3A = arith.constant 0 : index
    %swap3A_18 = arith.constant 0 : index
    %swap3A_19 = arith.constant 0 : index
    %swap3A_20 = vector.load %arg5[%swap3A, %swap3A_18, %swap3A_19] : memref<1x1x1024xf32, #tpu.memory_space<vmem>>, vector<1x1x1024xf32>
    tpu.vector_store %arg5[%swap3A, %swap3A_18, %swap3A_19], %broadcast_in_dim3A_17 {strides = array<i32>} : memref<1x1x1024xf32, #tpu.memory_space<vmem>>, vector<1x1x1024xf32>,
    %reduce_sum3A_21 = arith.constant dense<0.000000e+00> : vector<1000xf32>
    %reduce_sum3A_22 = vector.multi_reduction <add>, %add3A_11, %reduce_sum3A_21 [0] : vector<1024x1000xf32> to vector<1000xf32>
    %mul3A = arith.constant 9.765625E-4 : f32
    %mul3A_23 = vector.broadcast %mul3A : f32 to vector<1000xf32>
    %mul3A_24 = arith.mulf %reduce_sum3A_22, %mul3A_23 : vector<1000xf32>
    %broadcast_in_dim3A_25 = vector.shape_cast %mul3A_24 : vector<1000xf32> to vector<1x1x1000xf32>
    %swap3A_26 = arith.constant 0 : index
    %swap3A_27 = arith.constant 0 : index
    %swap3A_28 = arith.constant 0 : index
    %swap3A_29 = vector.load %arg4[%swap3A_26, %swap3A_27, %swap3A_28] : memref<1x1x1000xf32, #tpu.memory_space<vmem>>, vector<1x1x1000xf32>
    tpu.vector_store %arg4[%swap3A_26, %swap3A_27, %swap3A_28], %broadcast_in_dim3A_25 {strides = array<i32>} : memref<1x1x1000xf32, #tpu.memory_space<vmem>>, vector<1x1x1000xf32>,
    return
  }
  func.func @transform_0(%arg0: i32) -> (i32, i32, i32) {
    %c0_i32 = arith.constant 0 : i32
    %c0_i32_0 = arith.constant 0 : i32
    %c0_i32_1 = arith.constant 0 : i32
    return %arg0, %c0_i32, %c0_i32_0 : i32, i32, i32
  }
  func.func @transform_1(%arg0: i32) -> (i32, i32) {
    %c0_i32 = arith.constant 0 : i32
    %c0_i32_0 = arith.constant 0 : i32
    %c0_i32_1 = arith.constant 0 : i32
    return %c0_i32, %c0_i32_0 : i32, i32
  }
  func.func @transform_2(%arg0: i32) -> (i32, i32) {
    %c0_i32 = arith.constant 0 : i32
    %c0_i32_0 = arith.constant 0 : i32
    %c0_i32_1 = arith.constant 0 : i32
    return %c0_i32, %c0_i32_0 : i32, i32
  }
  func.func @transform_3(%arg0: i32) -> (i32, i32, i32) {
    %c0_i32 = arith.constant 0 : i32
    %c0_i32_0 = arith.constant 0 : i32
    %c0_i32_1 = arith.constant 0 : i32
    return %arg0, %c0_i32, %c0_i32_0 : i32, i32, i32
  }
  func.func @transform_4(%arg0: i32) -> (i32, i32, i32) {
    %c0_i32 = arith.constant 0 : i32
    %c0_i32_0 = arith.constant 0 : i32
    %c0_i32_1 = arith.constant 0 : i32
    return %arg0, %c0_i32, %c0_i32_0 : i32, i32, i32
  }
}

</mosaic_0001>

<sc_bundles>
// kernel: kernel.4.cloned.1.call-start
scs
__scs_entry_jumppad:
0x0: {  	(pc) =	sbr.rel $0x88, $3  }
0x1: {  	(tag) =	ssettag $0x0;
	lr =	simm.s32 $0x1  }
0x2: {  	[smem:$0x3F9E] =	sst lr;
	_ =	strace $0xD0000000  }
0x3: {  	_ = 	snop  }
0x4: {  	_ = 	snop  }
0x5: {  	_ = 	snop  }
0x6: {  	_ = 	snop  }
0x7: {  	_ = 	snop  }
__scs_overlays_trampoline_lowered:
0x8: {  	[smem:$0x3FAD] =	sst s0  }
0x9: {  	[smem:$0x3FAE] =	sst s1  }
0xa: {  	[smem:$0x3FAF] =	sst s2  }
0xb: {  	[smem:$0x3FB0] =	sst s3  }
0xc: {  	[smem:$0x3FB1] =	sst s4  }
0xd: {  	[smem:$0x3FB2] =	sst s5  }
0xe: {  	[smem:$0x3FB3] =	sst s6  }
0xf: {  	[smem:$0x3FB4] =	sst s7  }
0x10: {  	[smem:$0x3FB5] =	sst s8  }
0x11: {  	[smem:$0x3FB6] =	sst s9;
	s0 =	simm.s32 @!p0 $0x0  }
0x12: {  	s1 =	sld [smem:$0x3F9C];
	s0 =	simm.s32 @p0 $0x1  }
0x13: {  	[smem:$0x3FB7] =	sst s0;
	s0 =	simm.s32 @!p1 $0x0  }
0x14: {  	s2 =	sld [smem:$0x3F9B];
	s0 =	simm.s32 @p1 $0x1  }
0x15: {  	[smem:$0x3FB8] =	sst s0;
	s0 =	simm.s32 @!p2 $0x0  }
0x16: {  	s3 =	sld [smem:$0x3FDB];
	s0 =	simm.s32 @p2 $0x1  }
0x17: {  	s4 =	simm.s32 $0x1BF5;
	[smem:$0x3FBA] =	sst s0  }
0x18: {  	s0 =	sld [smem:$0x3F9D];
	_ =	swait.ge [sflag:s4], $0x0  }
0x19: {  	s7 =	sld [smem:$0x3F9E]  }
0x1a: {  	s8 =	sadd.s32 $0xFFFFE003, lr  }
0x1b: {  	s9 =	sadd.s32 $0xFFFFFEF7, lr;
	s5 =	simm.s32 $0xFFFFFFFF;
	p2 =	slt.u32 s8, $0xFFFFF086  }
0x1c: {  	p1 =	slt.u32 s9, $0xF7A;
	s5 =	simm.s32 @!p2 $0x0  }
0x1d: {  	s5 =	simm.s32 @p1 $0x1;
	p0 =	seq.s32 s7, s2  }
0x1e: {  	s7 =	smul.u32 @!p0 $0xF7A, s2;
	p2 =	seq.s32 @!p0 s5, $0x0  }
0x1f: {  	s9 =	smul.u32 $0xF7A, s1;
	s8 =	simm.s32 @!p0 $0x1BF5;
	p2 =	por !p2, p0  }
0x20: {  	[sflag:s8] =	ssyncset.s32 @!p0 $0xFFFFF086;
	s6 =	sadd.s32 @!p0 s3, s7;
	s7 =	simm.s32 @!p0 $0x108  }
0x21: {  	s3 =	sadd.s32 s3, s9;
	s6 =	sadd.s32 @!p0 $0x88, s6;
	s7 =	simm.s32 @p2 $0x1082  }
0x22: {  	[simem:s7], [sflag:s8] =	dma.local @!p0 [hbm:s6], $0xF7A  }
0x23: {  	s9 =	sor.u32 $0xD0000000, s2;
	s6 =	simm.s32 $0x108;
	_ =	swait.ge @!p0 [sflag:s8], $0x0  }
0x24: {  	s3 =	sadd.s32 $0x88, s3;
	s6 =	simm.s32 @!p1 $0x1082;
	[sflag:s4] =	ssyncset.s32 $0xFFFFF086  }
0x25: {  	[simem:s6], [sflag:s4] =	dma.local [hbm:s3], $0xF7A  }
0x26: {  	[smem:$0x3F9E] =	sst s1;
	(tag) =	ssettag s2;
	_ =	strace s9  }
0x27: {  	s1 =	sld [smem:$0x3FAE]  }
0x28: {  	s2 =	sld [smem:$0x3FAF]  }
0x29: {  	s4 =	sld [smem:$0x3FB1]  }
0x2a: {  	p0 =	seq.s32 s5, $0x0;
	s5 =	sld [smem:$0x3FB2]  }
0x2b: {  	s6 =	sld [smem:$0x3FB3]  }
0x2c: {  	s7 =	sld [smem:$0x3FB4]  }
0x2d: {  	s3 =	simm.s32 $0x108;
	s8 =	sld [smem:$0x3FB5]  }
0x2e: {  	s3 =	simm.s32 @!p0 $0x1082;
	s9 =	sld [smem:$0x3FB6]  }
0x2f: {  	lr =	sadd.s32 s0, s3;
	s0 =	sld [smem:$0x3FAD]  }
0x30: {  	s3 =	sld [smem:$0x3FB0]  }
0x31: {  	[smem:$0x3FB9] =	sst s10  }
0x32: {  	s10 =	sld [smem:$0x3FB7];
	_ =	sdelay $0x3  }
0x33: {  	p0 =	seq.s32 s10, $0x1;
	s10 =	sld [smem:$0x3FB9];
	_ =	sdelay $0x3  }
0x34: {  	[smem:$0x3FB9] =	sst s10  }
0x35: {  	s10 =	sld [smem:$0x3FB8];
	_ =	sdelay $0x3  }
0x36: {  	p1 =	seq.s32 s10, $0x1;
	s10 =	sld [smem:$0x3FB9];
	_ =	sdelay $0x3  }
0x37: {  	[smem:$0x3FB9] =	sst s10  }
0x38: {  	s10 =	sld [smem:$0x3FBA]  }
0x39: {  	_ = 	snop;
	(pc) =	sbr.ind lr, $3  }
0x3a: {  	_ = 	snop  }
0x3b: {  	_ = 	snop  }
0x3c: {  	p2 =	seq.s32 s10, $0x1;
	s10 =	sld [smem:$0x3FB9]  }
0x3d: {  	_ =	shalt  }
0x3e: {  	_ =	shalt  }
0x3f: {  	_ =	shalt  }
0x40: {  	_ =	shalt  }
0x41: {  	_ =	shalt  }
0x42: {  	_ =	shalt  }
0x43: {  	_ =	shalt  }
0x44: {  	_ =	shalt  }
0x45: {  	_ =	shalt  }
0x46: {  	_ =	shalt  }
0x47: {  	_ =	shalt  }
0x48: {  	_ =	shalt  }
0x49: {  	_ =	shalt  }
0x4a: {  	_ =	shalt  }
0x4b: {  	_ =	shalt  }
0x4c: {  	_ =	shalt  }
0x4d: {  	_ =	shalt  }
0x4e: {  	_ =	shalt  }
0x4f: {  	_ =	shalt  }
0x50: {  	_ =	shalt  }
0x51: {  	_ =	shalt  }
0x52: {  	_ =	shalt  }
0x53: {  	_ =	shalt  }
0x54: {  	_ =	shalt  }
0x55: {  	_ =	shalt  }
0x56: {  	_ =	shalt  }
0x57: {  	_ =	shalt  }
0x58: {  	_ =	shalt  }
0x59: {  	_ =	shalt  }
0x5a: {  	_ =	shalt  }
0x5b: {  	_ =	shalt  }
0x5c: {  	_ =	shalt  }
0x5d: {  	_ =	shalt  }
0x5e: {  	_ =	shalt  }
0x5f: {  	_ =	shalt  }
0x60: {  	_ =	shalt  }
0x61: {  	_ =	shalt  }
0x62: {  	_ =	shalt  }
0x63: {  	_ =	shalt  }
0x64: {  	_ =	shalt  }
0x65: {  	_ =	shalt  }
0x66: {  	_ =	shalt  }
0x67: {  	_ =	shalt  }
0x68: {  	_ =	shalt  }
0x69: {  	_ =	shalt  }
0x6a: {  	_ =	shalt  }
0x6b: {  	_ =	shalt  }
0x6c: {  	_ =	shalt  }
0x6d: {  	_ =	shalt  }
0x6e: {  	_ =	shalt  }
0x6f: {  	_ =	shalt  }
0x70: {  	_ =	shalt  }
0x71: {  	_ =	shalt  }
0x72: {  	_ =	shalt  }
0x73: {  	_ =	shalt  }
0x74: {  	_ =	shalt  }
0x75: {  	_ =	shalt  }
0x76: {  	_ =	shalt  }
0x77: {  	_ =	shalt  }
0x78: {  	_ =	shalt  }
0x79: {  	_ =	shalt  }
0x7a: {  	_ =	shalt  }
0x7b: {  	_ =	shalt  }
0x7c: {  	_ =	shalt  }
0x7d: {  	_ =	shalt  }
0x7e: {  	_ =	shalt  }
0x7f: {  	_ =	shalt  }
0x80: {  	_ =	shalt  }
0x81: {  	_ =	shalt  }
0x82: {  	_ =	shalt  }
0x83: {  	_ =	shalt  }
0x84: {  	_ =	shalt  }
0x85: {  	_ =	shalt  }
0x86: {  	_ =	shalt  }
0x87: {  	_ =	shalt  }
.Lfunc_end0:
.L_simem_size_0:
called_computation_lowered:
.L_overlay_start_0:
0x88: {  	s2 =	sld [smem:$0x3FD9]  }
0x89: {  	s3 =	sld [smem:$0x3FFE];
	_ =	sdelay $0x1  }
0x8a: {  	s1 =	srdreg.scid  }
0x8b: {  	s0 =	sand.u32 $0x1, s1  }
0x8c: {  	s14 =	sshll.u32 s0, $0xA;
	s2 =	sadd.s32 s3, s2  }
0x8d: {  	s2 =	sadd.s32 s2, s14  }
0x8e: {  	[smem:$0x3FC5] =	sst s2  }
0x8f: {  	_ = 	snop  }
0x90: {  	s2 =	sld [smem:$0x3FD0];
	_ =	sdelay $0x2  }
0x91: {  	s4 =	simm.s32 $0xA;
	s5 =	simm.s32 $0x10;
	s15 =	sld [smem:$0x3FC9]  }
0x92: {  	[smem:s5], [sflag:s4] =	dma.local [hbm:s2], $0x1  }
0x93: {  	_ =	swait.eq [sflag:s4], $0x1  }
0x94: {  	[sflag:s4] =	ssyncset.done $0x0  }
0x95: {  	[sflag:s4] =	ssyncadd.s32 $0xFFFFFFFF  }
0x96: {  	s16 =	sld [smem:$0x11];
	(tm) =	ssettm $0x1  }
0x97: {  	s17 =	sld [smem:$0x3FFB];
	_ =	sdelay $0x3  }
0x98: {  	_ =	strace s17  }
0x99: {  	s4 =	sld [smem:$0x3FFC];
	_ =	sdelay $0x3  }
0x9a: {  	_ =	strace s4  }
0x9b: {  	s4 =	sld [smem:$0x3FFD];
	_ =	sdelay $0x3  }
0x9c: {  	_ =	strace s4  }
0x9d: {  	_ =	strace $0x8FFFFFFF  }
0x9e: {  	s18 =	sld [smem:$0x3FDB];
	_ =	sdelay $0x1  }
0x9f: {  	s19 =	simm.s32 $_scs_section_size  }
0xa0: {  	s6 =	simm.s32 $_size__tile_overlayer_lowered;
	s7 =	simm.s32 $_tile_overlayer_lowered  }
0xa1: {  	s22 =	simm.s32 $0x1BFF;
	s21 =	sshll.u32 s7, $0x1;
	s4 =	sadd.s32 s19, s18  }
0xa2: {  	s8 =	simm.s32 $0x0;
	s20 =	sshll.u32 s6, $0x1;
	s6 =	sadd.s32 s21, s4  }
0xa3: {  	[timem:s8], [sflag:s22] =	dma.local [hbm:s6], s20  }
0xa4: {  	_ =	swait.ge [sflag:s22], s20  }
0xa5: {  	s5 =	ssub.s32 $0x0, s20;
	[sflag:s22] =	ssyncset.done $0x0  }
0xa6: {  	[sflag:s22] =	ssyncadd.s32 s5;
	_ =	sdelay $0x1  }
0xa7: {  	s23 =	simm.s32 $0x1B8B  }
0xa8: {  	_ =	swait.ge [sflag:s23], $0x1  }
0xa9: {  	[sflag:s23] =	ssyncset.done $0x0  }
0xaa: {  	s25 =	simm.s32 $0x1B8E;
	s24 =	sld [smem:$0x3FFE];
	[sflag:s23] =	ssyncadd.s32 $0xFFFFFFFF  }
0xab: {  	s26 =	simm.s32 $execute0_lowered;
	[smem:$0x3FD2] =	sst s25  }
0xac: {  	s6 =	sshll.u32 s26, $0x1;
	_ =	strace $0x80000046;
	[dreg:$0x1] =	wrdreg $0xFFFFFFFF  }
0xad: {  	s28 =	simm.s32 $_size_execute0_lowered;
	s4 =	sadd.s32 s4, s6;
	[dreg:$0x0] =	wrdreg $0x0  }
0xae: {  	s6 =	sshll.u32 s28, $0x1;
	[dreg:$0x2] =	wrdreg s4  }
0xaf: {  	[dreg:$0x3] =	wrdreg s6  }
0xb0: {  	[dreg:$0x4] =	wrdreg $0xC0  }
0xb1: {  	_ =	task [dreg:s8], $0x5FFFF  }
0xb2: {  	[dreg:$0x1] =	wrdreg $0xFFFFFFFF  }
0xb3: {  	[dreg:$0x0] =	wrdreg $0x60  }
0xb4: {  	[dreg:$0x2] =	wrdreg s24  }
0xb5: {  	[dreg:$0x3] =	wrdreg s15  }
0xb6: {  	[dreg:$0x4] =	wrdreg s16  }
0xb7: {  	[dreg:$0x5] =	wrdreg $0x9  }
0xb8: {  	_ =	task.clear_ibuf [dreg:s8], $0x6FFFF;
	_ =	strace $0x90000046  }
0xb9: {  	s29 =	simm.s32 $0x9;
	_ =	strace $0x80000048  }
0xba: {  	_ =	swait.ge [sflag:s29], $0x1  }
0xbb: {  	[sflag:s29] =	ssyncadd.s32 $0xFFFFFFFF  }
0xbc: {  	_ =	strace $0x90000048  }
0xbd: {  	_ =	sfence  }
0xbe: {  	s30 =	sld [smem:$0x0];
	_ =	sdelay $0x2  }
0xbf: {  	s31 =	sshll.u32 s1, $0xD;
	s1 =	sshrl.u32 s1, $0x2  }
0xc0: {  	s3 =	sand.u32 $0x4000, s31;
	s1 =	sadd.s32 s1, s30  }
0xc1: {  	s0 =	sor.u32 s3, s0;
	s1 =	sshll.u32 s1, $0x11  }
0xc2: {  	s0 =	sor.u32 s1, s0  }
0xc3: {  	s0 =	sadd.s32 $0x8F2B, s0  }
0xc4: {  	[sflag:s0] =	ssyncadd.remote.s32 $0x1  }
0xc5: {  	_ =	sfence.sel $0xFFFF  }
0xc6: {  	[dreg:$0x0] =	wrdreg $0xFFFFFFFF;
	(pc) =	sbr.abs _section_cstart, $3  }
0xc7: {  	[dreg:$0x1] =	wrdreg $0xFFFFFFFF  }
0xc8: {  	_ =	task.clear_ibuf [dreg:s8], $0x2FFFF;
	_ =	strace $0x9FFFFFFF  }
0xc9: {  	(tm) =	ssettm $0x7FFFFFFF  }
tec
execute0_lowered:
.L_overlay_start_1:
0x0: {  	(tag) =	ssettag $0x1  }
0x1: {  	s0 =	srdreg.scid;
	s2 =	stileid.u32  }
0x2: {  	s1 =	rddreg [dreg:$0x0];
	s0 =	sand.u32 $0x1, s0;
	s3 =	sshll.u32 s2, $0x1  }
0x3: {  	s8 =	rddreg [dreg:$0x2];
	vm0 =	vmmov $0x1;
	v1 =	vimm.s32 $0x0;
	s6 =	sor.u32 s0, s3;
	s3 =	simm.s32 $0x0  }
0x4: {  	v1 =	vsel vm0, $0xFFFFFFFF, v1;
	[smem:$0x7FF] =	sst s3  }
0x5: {  	vm5 =	vmmov $0x3;
	s2 =	rddreg [dreg:$0x1];
	_ =	strace $0x80000047;
	[tilespmem:$0x1FF80] =	vst v1;
	v1 =	vimm.s32 $0x0  }
0x6: {  	v1 =	vsel vm5, $0xFFFFFFFF, v1  }
0x7: {  	vm4 =	vmmov $0x7;
	[tilespmem:$0x1FF90] =	vst v1;
	v1 =	vimm.s32 $0x0  }
0x8: {  	v1 =	vsel vm4, $0xFFFFFFFF, v1  }
0x9: {  	vm5 =	vmmov $0xf;
	[tilespmem:$0x1FFA0] =	vst v1;
	v1 =	vimm.s32 $0x0  }
0xa: {  	s13 =	simm.s32 $0x400;
	v1 =	vsel vm5, $0xFFFFFFFF, v1  }
0xb: {  	s14 =	simm.s32 $0x2;
	s15 =	simm.s32 $0x18480;
	s16 =	simm.s32 $0x480;
	vm4 =	vmmov $0x1f;
	[tilespmem:$0x1FFB0] =	vst v1;
	v1 =	vimm.s32 $0x0  }
0xc: {  	s20 =	simm.s32 $0x13480;
	s21 =	simm.s32 $0x13C80;
	s22 =	simm.s32 $0x14480;
	v1 =	vsel vm4, $0xFFFFFFFF, v1  }
0xd: {  	s23 =	simm.s32 $0x14C80;
	s24 =	simm.s32 $0x15480;
	s28 =	simm.s32 $0x16C80;
	vm5 =	vmmov $0x3f;
	[tilespmem:$0x1FFC0] =	vst v1;
	v1 =	vimm.s32 $0x0  }
0xe: {  	vm8 =	vmmov $0x1ff;
	s29 =	simm.s32 $0x17480;
	s30 =	simm.s32 $0x17C80;
	s31 =	simm.s32 $0x1;
	v1 =	vsel vm5, $0xFFFFFFFF, v1  }
0xf: {  	vm9 =	vmmov $0x3ff;
	s17 =	simm.s32 $0x0;
	s0 =	ssub.s32 $0x2, s0;
	s7 =	sadd.s32 $0x200, s2;
	vm4 =	vmmov $0x7f;
	[tilespmem:$0x1FFD0] =	vst v1;
	v1 =	vimm.s32 $0x0  }
0x10: {  	vm10 =	vmmov $0x7ff;
	vm11 =	vmmov $0xfff;
	s12 =	sshll.u32 s6, $0xA;
	s4 =	sshll.u32 s6, $0x7;
	s25 =	sshrl.u32 s0, $0x1;
	v1 =	vsel vm4, $0xFFFFFFFF, v1  }
0x11: {  	vm12 =	vmmov $0x1fff;
	s26 =	sshll.u32 s6, $0xE;
	s6 =	sadd.s32 $0x100, s2;
	s4 =	sor.u32 s4, s12;
	vm5 =	vmmov $0xff;
	[tilespmem:$0x1FFE0] =	vst v1;
	v1 =	vimm.s32 $0x0  }
0x12: {  	vm13 =	vmmov $0x3fff;
	vm14 =	vmmov $0x7fff;
	s0 =	ssub.s32 s0, s25;
	s8 =	sadd.s32 s8, s26;
	s25 =	simm.s32 $0x15C80;
	v1 =	vsel vm5, $0xFFFFFFFF, v1  }
0x13: {  	v5 =	vimm.s32 $0x30;
	v0 =	vmov s12;
	s26 =	simm.s32 $0x16480;
	s12 =	simm.s32 $0x800;
	s4 =	sand.u32 $0x6380, s4;
	[tilespmem:$0x1FFF0] =	vst v1;
	v1 =	vlaneseq.u32  }
0x14: {  	v6 =	vimm.f32 $-Inf;
	vm15 =	vmmov $0xffff;
	s9 =	sadd.s32 $0x300, s8;
	s10 =	sadd.s32 $0x2300, s8;
	s4 =	sshrl.u32 s4, $0x3;
	v2 =	vor.u32 $0x10, v1  }
0x15: {  	s11 =	smax.u32 s0, $0x1;
	s0 =	simm.s32 $0x2000;
	s5 =	sadd.s32 s4, s1;
	v3 =	vor.u32 $0x20, v1;
	v4 =	vor.u32 $0x30, v1;
	v8 =	vshrl.u32 v1, $0x3  }
0x16: {  	s4 =	sadd.s32 $0x1A00, s1;
	s1 =	simm.s32 $0x1800;
	s5 =	sadd.s32 $0xA00, s5;
	v7 =	vand.u32 $0x7, v1;
	v9 =	vor.u32 $0x8, v1;
	v8 =	vmul.u32 $0x8, v8  }
.LBB2_1:
0x17: {  	s18 =	simm.s32 $0x80  }
0x18: {  	[tilespmem:s3], [sflag:$0x2] =	stream.strided.gather [hbm4b:s5+s18], $0x400, s13, s18, $0x38;
	[tilespmem:$0x1C480] =	vst v63  }
0x19: {  	_ =	swait.ge [sflag:s14], $0x400  }
0x1a: {  	[sflag:s14] =	ssyncset.done $0x0  }
0x1b: {  	[sflag:s14] =	ssyncadd.s32 $0xFFFFFC00  }
0x1c: {  	[tilespmem:s15], [sflag:$0x2] =	stream.linear.gather [hbm4b:s4+s3], $0x4000, $0x38;
	[tilespmem:$0x1C480] =	vst v63  }
0x1d: {  	_ =	swait.ge [sflag:s14], $0x4000  }
0x1e: {  	[sflag:s14] =	ssyncset.done $0x0;
	v59 =	vld [tilespmem:$0x1FF80]  }
0x1f: {  	v61 =	vld [tilespmem:$0x1FF90];
	[sflag:s14] =	ssyncadd.s32 $0xFFFFC000  }
0x20: {  	v10 =	vld [tilespmem:$0x0]  }
0x21: {  	v11 =	vld [tilespmem:$0x10]  }
0x22: {  	v12 =	vld [tilespmem:$0x20]  }
0x23: {  	v13 =	vld [tilespmem:$0x30]  }
0x24: {  	v14 =	vld [tilespmem:$0x40]  }
0x25: {  	v15 =	vld [tilespmem:$0x50]  }
0x26: {  	v16 =	vld [tilespmem:$0x60]  }
0x27: {  	v17 =	vld [tilespmem:$0x70]  }
0x28: {  	v18 =	vld [tilespmem:$0x80]  }
0x29: {  	v19 =	vld [tilespmem:$0x90]  }
0x2a: {  	v20 =	vld [tilespmem:$0xA0]  }
0x2b: {  	v21 =	vld [tilespmem:$0xB0]  }
0x2c: {  	v22 =	vld [tilespmem:$0xC0]  }
0x2d: {  	v23 =	vld [tilespmem:$0xD0]  }
0x2e: {  	v24 =	vld [tilespmem:$0xE0]  }
0x2f: {  	v25 =	vld [tilespmem:$0xF0]  }
0x30: {  	v26 =	vld [tilespmem:$0x100]  }
0x31: {  	v27 =	vld [tilespmem:$0x110]  }
0x32: {  	v28 =	vld [tilespmem:$0x120]  }
0x33: {  	v29 =	vld [tilespmem:$0x130]  }
0x34: {  	v30 =	vld [tilespmem:$0x140]  }
0x35: {  	v31 =	vld [tilespmem:$0x150]  }
0x36: {  	v32 =	vld [tilespmem:$0x160]  }
0x37: {  	v33 =	vld [tilespmem:$0x170]  }
0x38: {  	v34 =	vld [tilespmem:$0x180]  }
0x39: {  	v35 =	vld [tilespmem:$0x190]  }
0x3a: {  	v36 =	vld [tilespmem:$0x1A0]  }
0x3b: {  	v37 =	vld [tilespmem:$0x1B0]  }
0x3c: {  	v38 =	vld [tilespmem:$0x1C0]  }
0x3d: {  	v39 =	vld [tilespmem:$0x1D0]  }
0x3e: {  	v40 =	vld [tilespmem:$0x1E0]  }
0x3f: {  	v41 =	vld [tilespmem:$0x1F0]  }
0x40: {  	v42 =	vld [tilespmem:$0x200]  }
0x41: {  	v43 =	vld [tilespmem:$0x210]  }
0x42: {  	v44 =	vld [tilespmem:$0x220]  }
0x43: {  	v45 =	vld [tilespmem:$0x230]  }
0x44: {  	v46 =	vld [tilespmem:$0x240]  }
0x45: {  	v47 =	vld [tilespmem:$0x250]  }
0x46: {  	v48 =	vld [tilespmem:$0x260]  }
0x47: {  	v49 =	vld [tilespmem:$0x270]  }
0x48: {  	v50 =	vld [tilespmem:$0x280]  }
0x49: {  	vm0 =	vnez.u8 v59;
	v59 =	vld [tilespmem:$0x3A0]  }
0x4a: {  	v10 =	vmax.f32 v10, v11;
	v11 =	vmax.f32 v12, v13;
	v12 =	vld [tilespmem:$0x290]  }
0x4b: {  	v17 =	vmax.f32 v16, v17;
	v16 =	vld [tilespmem:$0x2C0]  }
0x4c: {  	v51 =	vmax.f32 v20, v21;
	v21 =	vld [tilespmem:$0x320]  }
0x4d: {  	v52 =	vmax.f32 v24, v25;
	v25 =	vld [tilespmem:$0x340]  }
0x4e: {  	v24 =	vld [tilespmem:$0x350]  }
0x4f: {  	v53 =	vmax.f32 v26, v27;
	v27 =	vld [tilespmem:$0x360];
	v10 =	vmax.f32 v10, v11;
	v11 =	vmax.f32 v14, v15  }
0x50: {  	v63 =	vmax.f32 v32, v33;
	v32 =	vld [tilespmem:$0x1FFA0];
	(xrf0) =	vmax.scan.msk.f32 $0xffff, v10;
	v10 =	vmax.f32 v11, v17;
	v11 =	vmax.f32 v18, v19  }
0x51: {  	v26 =	vld [tilespmem:$0x370];
	(xrf0) =	vmax.scan.msk.f32 $0xffff, v10;
	v10 =	vmax.f32 v11, v51  }
0x52: {  	v14 =	vld [tilespmem:$0x2A0];
	v11 =	vmax.f32 v22, v23;
	(xrf0) =	vmax.scan.msk.f32 $0xffff, v10  }
0x53: {  	v54 =	vmax.f32 v28, v29;
	v15 =	vld [tilespmem:$0x2B0];
	v10 =	vmax.f32 v11, v52  }
0x54: {  	v13 =	vmax.f32 v53, v54;
	v53 =	vmax.f32 v38, v39;
	v38 =	vld [tilespmem:$0x3C0];
	(xrf0) =	vmax.scan.msk.f32 $0xffff, v10  }
0x55: {  	v39 =	vld [tilespmem:$0x3D0]  }
0x56: {  	v54 =	vmax.f32 v40, v41;
	v40 =	vld [tilespmem:$0x3E0];
	v55, _, _ =	vpop (xrf0)  }
0x57: {  	v18 =	vld [tilespmem:$0x2F0];
	v56, _, _ =	vpop (xrf0)  }
0x58: {  	v17 =	vld [tilespmem:$0x300];
	v19 =	vbroadcast v55, $0xF;
	v20 =	vbroadcast v56, $0xF;
	v57, _, _ =	vpop (xrf0)  }
0x59: {  	vm5 =	vnez.u8 v61;
	v62 =	vmax.f32 v30, v31;
	v23 =	vld [tilespmem:$0x330];
	v22 =	vbroadcast v57, $0xF  }
0x5a: {  	v35 =	vmax.f32 v34, v35;
	v37 =	vmax.f32 v36, v37;
	v11 =	vld [tilespmem:$0x2D0];
	v58, _, _ =	vpop (xrf0);
	v19 =	vsel vm0, v19, v20  }
0x5b: {  	v10 =	vld [tilespmem:$0x2E0];
	(xrf0) =	vmax.scan.msk.f32 $0xffff, v13;
	v60 =	vbroadcast v58, $0xF;
	v19 =	vsel vm5, v19, v22;
	v22 =	vmax.f32 v62, v63  }
0x5c: {  	v52 =	vmax.f32 v35, v37;
	vm4 =	vnez.u8 v32;
	v13 =	vld [tilespmem:$0x310];
	v57 =	vmax.f32 v53, v54;
	(xrf0) =	vmax.scan.msk.f32 $0xffff, v22  }
0x5d: {  	v51 =	vld [tilespmem:$0x380];
	v58 =	vmax.f32 v42, v43;
	v19 =	vsel vm4, v19, v60;
	v60 =	vmax.f32 v44, v45;
	(xrf0) =	vmax.scan.msk.f32 $0xffff, v52  }
0x5e: {  	v61 =	vmax.f32 v46, v47;
	v55 =	vld [tilespmem:$0x390];
	v62 =	vmax.f32 v48, v49;
	v36 =	vmax.f32 v58, v60;
	(xrf0) =	vmax.scan.msk.f32 $0xffff, v57  }
0x5f: {  	v12 =	vmax.f32 v50, v12;
	v14 =	vmax.f32 v14, v15;
	v56 =	vld [tilespmem:$0x1FFB0];
	v37 =	vmax.f32 v61, v62;
	(xrf0) =	vmax.scan.msk.f32 $0xffff, v36  }
0x60: {  	v12 =	vmax.f32 v12, v14;
	v11 =	vmax.f32 v16, v11;
	v10 =	vmax.f32 v10, v18;
	v63 =	vld [tilespmem:$0x3B0];
	(xrf0) =	vmax.scan.msk.f32 $0xffff, v37  }
0x61: {  	v41 =	vmax.f32 v21, v23;
	v10 =	vmax.f32 v11, v10;
	v11 =	vmax.f32 v17, v13;
	v33, _, _ =	vpop (xrf0);
	v49 =	vld [tilespmem:$0x1FFC0];
	(xrf0) =	vmax.scan.msk.f32 $0xffff, v12  }
0x62: {  	v45 =	vld [tilespmem:$0x3F0];
	v43, _, _ =	vpop (xrf0);
	(xrf0) =	vmax.scan.msk.f32 $0xffff, v10;
	v10 =	vmax.f32 v11, v41  }
0x63: {  	v15 =	vmax.f32 v38, v39;
	v47, _, _ =	vpop (xrf0);
	(xrf0) =	vmax.scan.msk.f32 $0xffff, v10;
	v10 =	vmax.f32 v51, v55;
	v51 =	vld [tilespmem:$0x1FFD0]  }
0x64: {  	v42 =	vmax.f32 v25, v24;
	v20 =	vbroadcast v33, $0xF;
	v44 =	vmax.f32 v27, v26;
	v55 =	vld [tilespmem:$0x1FFE0]  }
0x65: {  	vm5 =	vnez.u8 v56;
	v46 =	vmax.f32 v42, v44;
	v57 =	vld [tilespmem:$0x1FFF0];
	v48 =	vmax.f32 v59, v63  }
0x66: {  	v19 =	vsel vm5, v19, v20;
	v11 =	vbroadcast v43, $0xF;
	v10 =	vmax.f32 v10, v48  }
0x67: {  	vm4 =	vnez.u8 v49;
	v13 =	vmax.f32 v40, v45;
	v14 =	vbroadcast v47, $0xF;
	v50, _, _ =	vpop (xrf0);
	(xrf0) =	vmax.scan.msk.f32 $0xffff, v46  }
0x68: {  	v11 =	vsel vm4, v19, v11;
	v52 =	vbroadcast v50, $0xF;
	v53, _, _ =	vpop (xrf0);
	vm5 =	vnez.u8 v51  }
0x69: {  	(xrf0) =	vmax.scan.msk.f32 $0xffff, v10;
	v10, _, _ =	vpop (xrf0);
	vm4 =	vnez.u8 v55;
	v11 =	vsel vm5, v11, v14;
	v14 =	vbroadcast v53, $0xF  }
0x6a: {  	v54, _, _ =	vpop (xrf0);
	v10 =	vbroadcast v10, $0xF;
	vm5 =	vnez.u8 v57;
	v11 =	vsel vm4, v11, v52  }
0x6b: {  	v56 =	vmax.f32 v15, v13;
	v58 =	vbroadcast v54, $0xF;
	v59, _, _ =	vpop (xrf0);
	v11 =	vsel vm5, v11, v14  }
0x6c: {  	(xrf0) =	vmax.scan.msk.f32 $0xffff, v56;
	v60, _, _ =	vpop (xrf0);
	v10 =	vsel vm8, v11, v10;
	v11 =	vbroadcast v59, $0xF  }
0x6d: {  	v61, _, _ =	vpop (xrf0);
	v10 =	vsel vm9, v10, v58  }
0x6e: {  	v12 =	vbroadcast v60, $0xF;
	v10 =	vsel vm10, v10, v11;
	v11 =	vbroadcast v61, $0xF  }
0x6f: {  	v62, _, _ =	vpop (xrf0)  }
0x70: {  	v63 =	vbroadcast v62, $0xF;
	v10 =	vsel vm11, v10, v12  }
0x71: {  	v10 =	vsel vm12, v10, v11  }
0x72: {  	v10 =	vsel vm13, v10, v63;
	v11, _, _ =	vpop (xrf0)  }
0x73: {  	v10 =	vsel vm14, v10, v11  }
0x74: {  	(xrf0) =	vmax.scan.msk.f32 $0xffff, v10  }
0x75: {  	s19 =	simm.s32 $0x1;
	s18 =	simm.s32 $0x0  }
.LBB2_2:
0x76: {  	p0 =	sne.s32 s19, $0x7F;
	_ =	sdelay $0x3  }
0x77: {  	v11, _, _ =	vpop (xrf0)  }
0x78: {  	v11 =	vbroadcast v11, $0xF;
	_ =	sdelay $0x1  }
0x79: {  	vm0 =	veq.f32 v10, v11  }
0x7a: {  	v12 =	vmctz.xlane vm0;
	_ =	sdelay $0x1  }
0x7b: {  	v13 =	vshll.u32 v12, $0x6  }
0x7c: {  	v14 =	vor.u32 v1, v13  }
0x7d: {  	v15 =	vor.u32 v2, v13;
	_ =	sdelay $0x1  }
0x7e: {  	v16 =	vor.u32 v3, v13;
	_ =	sdelay $0x1  }
0x7f: {  	v17 =	vor.u32 v4, v13;
	v14 =	vld.idx.msk [tilespmem:v14+s3+$0x0], $0xffff  }
0x80: {  	v15 =	vld.idx.msk [tilespmem:v15+s3+$0x0], $0xffff;
	_ =	sdelay $0x1  }
0x81: {  	v16 =	vld.idx.msk [tilespmem:v16+s3+$0x0], $0xffff;
	_ =	sdelay $0x1  }
0x82: {  	v17 =	vld.idx.msk [tilespmem:v17+s3+$0x0], $0xffff;
	_ =	sdelay $0x1  }
0x83: {  	vm1 =	veq.f32 v14, v11;
	vm2 =	veq.f32 v15, v11  }
0x84: {  	v18 =	vmpcnt.ones.xlane vm1;
	v19 =	vmpcnt.ones.xlane vm2  }
0x85: {  	vm3 =	veq.f32 v16, v11  }
0x86: {  	vm0 =	vgt.s32 v18, $0x0;
	v20 =	vmpcnt.ones.xlane vm3;
	vm4 =	vgt.s32 v19, $0x0  }
0x87: {  	vm5 =	veq.f32 v17, v11;
	v11 =	vmctz.xlane vm3;
	vm3 =	vmor vm0, vm4  }
0x88: {  	v19 =	vmctz.xlane vm5;
	vm5 =	vmneg vm3;
	vm6 =	vgt.s32 v20, $0x0  }
0x89: {  	v20 =	vmctz.xlane vm2;
	vm2 =	vle.s32 v18, $0x0;
	vm5 =	vmand vm6, vm5  }
0x8a: {  	v18 =	vmctz.xlane vm1;
	vm1 =	vmand vm4, vm2;
	v11 =	vsel vm5, v11, v19  }
0x8b: {  	v19 =	vsel vm5, $0x20, v5;
	v11 =	vsel vm1, v20, v11;
	v20 =	vmov s18;
	s18 =	smov.u32 s19  }
0x8c: {  	vm2 =	vmor vm3, vm6;
	v11 =	vsel vm0, v18, v11;
	v18 =	vmax.f32 v14, v15  }
0x8d: {  	v21 =	vmax.f32 v16, v17;
	vm2 =	vmneg vm2;
	vm3 =	veq.s32 v11, v1  }
0x8e: {  	vm4 =	vmand vm0, vm3;
	vm6 =	vmand vm1, vm3;
	vm2 =	vmand vm3, vm2  }
0x8f: {  	vm3 =	vmand vm5, vm3;
	v14 =	vsel vm6, v14, v18;
	v16 =	vsel vm2, v16, v21  }
0x90: {  	v18 =	vsel vm1, $0x10, v19;
	v14 =	vsel vm4, v15, v14;
	v15 =	vsel vm3, v17, v16  }
0x91: {  	v16 =	vsel vm0, $0x0, v18;
	v14 =	vmax.f32 v14, v15  }
0x92: {  	v13 =	vor.u32 v13, v16;
	(xrf0) =	vmax.scan.msk.f32 $0xffff, v14  }
0x93: {  	v11 =	vadd.s32 v13, v11  }
0x94: {  	v13 =	vadd.s32 v0, v11  }
0x95: {  	[tilespmem:v20+s13+$0x0] =	vst.idx.msk $0x1, v13;
	_ =	sdelay $0x2  }
0x96: {  	[tilespmem:v11+s3+$0x0] =	vst.idx.msk $0x1, v6;
	v11, _, _ =	vpop (xrf0)  }
.Ltmp0:
0x97: {  	v11 =	vbroadcast v11, $0xF;
	(pc) =	sbr.rel @p0 .LBB2_2-.Ltmp0, $4  }
0x98: {  	vm0 =	veq.s32 v12, v1  }
0x99: {  	v10 =	vsel vm0, v11, v10  }
0x9a: {  	(xrf0) =	vmax.scan.msk.f32 $0xffff, v10  }
0x9b: {  	s19 =	sadd.s32 $0x1, s19  }
0x9c: {  	_ =	sdelay $0x3  }
0x9d: {  	v11, _, _ =	vpop (xrf0)  }
0x9e: {  	v14 =	vbroadcast v11, $0xF;
	_ =	sdelay $0x1  }
0x9f: {  	vm0 =	veq.f32 v10, v14  }
0xa0: {  	v10 =	vmctz.xlane vm0;
	_ =	sdelay $0x1  }
0xa1: {  	v15 =	vshll.u32 v10, $0x6  }
0xa2: {  	v10 =	vor.u32 v1, v15  }
0xa3: {  	v12 =	vor.u32 v2, v15;
	_ =	sdelay $0x1  }
0xa4: {  	v13 =	vor.u32 v3, v15;
	_ =	sdelay $0x1  }
0xa5: {  	v16 =	vor.u32 v4, v15;
	v11 =	vld.idx.msk [tilespmem:v10+s3+$0x0], $0xffff  }
0xa6: {  	v10 =	vld.idx.msk [tilespmem:v12+s3+$0x0], $0xffff;
	_ =	sdelay $0x1  }
0xa7: {  	v13 =	vld.idx.msk [tilespmem:v13+s3+$0x0], $0xffff;
	_ =	sdelay $0x1  }
0xa8: {  	v43 =	vld.idx.msk [tilespmem:v16+s3+$0x0], $0xffff  }
0xa9: {  	vm5 =	veq.f32 v11, v14;
	vm3 =	veq.f32 v10, v14  }
0xaa: {  	v44 =	vmpcnt.ones.xlane vm5;
	v17 =	vmpcnt.ones.xlane vm3  }
0xab: {  	vm1 =	veq.f32 v13, v14  }
0xac: {  	v18 =	vmpcnt.ones.xlane vm1;
	vm0 =	vgt.s32 v44, $0x0;
	vm6 =	vgt.s32 v17, $0x0  }
0xad: {  	vm7 =	veq.f32 v43, v14;
	vm2 =	vmor vm0, vm6  }
0xae: {  	v45 =	vmctz.xlane vm1;
	vm4 =	vgt.s32 v18, $0x0;
	vm1 =	vmneg vm2  }
0xaf: {  	v46 =	vmctz.xlane vm7;
	vm7 =	vle.s32 v44, $0x0;
	vm1 =	vmand vm4, vm1  }
0xb0: {  	v47 =	vmctz.xlane vm3;
	vm3 =	vmand vm6, vm7;
	v48 =	vsel vm1, $0x20, v5  }
0xb1: {  	v19 =	vmctz.xlane vm5;
	v14 =	vsel vm1, v45, v46;
	v49 =	vsel vm3, $0x10, v48  }
0xb2: {  	v14 =	vsel vm3, v47, v14;
	v50 =	vsel vm0, $0x0, v49  }
0xb3: {  	v51 =	vmov s18;
	v14 =	vsel vm0, v19, v14;
	v15 =	vor.u32 v15, v50  }
0xb4: {  	v15 =	vadd.s32 v15, v14;
	_ =	sdelay $0x2  }
0xb5: {  	v52 =	vadd.s32 v0, v15  }
0xb6: {  	[tilespmem:v51+s13+$0x0] =	vst.idx.msk $0x1, v52  }
0xb7: {  	[tilespmem:v15+s3+$0x0] =	vst.idx.msk $0x1, v6  }
0xb8: {  	v15 =	vld [tilespmem:$0x400];
	_ =	sdelay $0x4  }
0xb9: {  	v53 =	vshrl.u32 v15, $0x3  }
0xba: {  	v16 =	vmul.u32 $0x30, v53  }
0xbb: {  	v15 =	vand.u32 $0x7, v15  }
0xbc: {  	v15 =	vor.u32 v15, v16  }
0xbd: {  	v16 =	vperm.xlane v15, v7;
	_ =	sdelay $0x1  }
0xbe: {  	v16 =	vadd.s32 v8, v16;
	_ =	sdelay $0x3  }
0xbf: {  	v15 =	vperm.xlane v15, v9  }
0xc0: {  	[tilespmem:s16], [sflag:$0x1] =	stream.indirect_vreg.gather [hbm4b:s2+s3], $0x80, v16, vm15, $0xb8;
	[tilespmem:$0x1C480] =	vst v63  }
0xc1: {  	s19 =	simm.s32 $0xC80;
	v15 =	vadd.s32 v8, v15  }
0xc2: {  	[tilespmem:s19], [sflag:$0x1] =	stream.indirect_vreg.gather [hbm4b:s6+s3], $0x80, v16, vm15, $0xb8;
	[tilespmem:$0x1C480] =	vst v63  }
0xc3: {  	s19 =	simm.s32 $0x1480  }
0xc4: {  	[tilespmem:s19], [sflag:$0x1] =	stream.indirect_vreg.gather [hbm4b:s7+s3], $0x80, v16, vm15, $0xb8;
	[tilespmem:$0x1C480] =	vst v63  }
0xc5: {  	s19 =	simm.s32 $0x1C80  }
0xc6: {  	[tilespmem:s19], [sflag:$0x1] =	stream.indirect_vreg.gather [hbm4b:s2+s3], $0x80, v15, vm15, $0xb8;
	[tilespmem:$0x1C480] =	vst v63  }
0xc7: {  	s19 =	simm.s32 $0x2480  }
0xc8: {  	[tilespmem:s19], [sflag:$0x1] =	stream.indirect_vreg.gather [hbm4b:s6+s3], $0x80, v15, vm15, $0xb8;
	[tilespmem:$0x1C480] =	vst v63  }
0xc9: {  	s19 =	simm.s32 $0x2C80  }
0xca: {  	[tilespmem:s19], [sflag:$0x1] =	stream.indirect_vreg.gather [hbm4b:s7+s3], $0x80, v15, vm15, $0xb8;
	[tilespmem:$0x1C480] =	vst v63  }
0xcb: {  	v15 =	vld [tilespmem:$0x410];
	_ =	sdelay $0x4  }
0xcc: {  	v54 =	vshrl.u32 v15, $0x3  }
0xcd: {  	v16 =	vmul.u32 $0x30, v54  }
0xce: {  	v15 =	vand.u32 $0x7, v15  }
0xcf: {  	v15 =	vor.u32 v15, v16  }
0xd0: {  	v16 =	vperm.xlane v15, v7;
	_ =	sdelay $0x1  }
0xd1: {  	v16 =	vadd.s32 v8, v16;
	_ =	sdelay $0x3  }
0xd2: {  	s19 =	simm.s32 $0x3480;
	v15 =	vperm.xlane v15, v9  }
0xd3: {  	[tilespmem:s19], [sflag:$0x1] =	stream.indirect_vreg.gather [hbm4b:s2+s3], $0x80, v16, vm15, $0xb8;
	[tilespmem:$0x1C480] =	vst v63  }
0xd4: {  	v15 =	vadd.s32 v8, v15;
	s19 =	simm.s32 $0x3C80  }
0xd5: {  	[tilespmem:s19], [sflag:$0x1] =	stream.indirect_vreg.gather [hbm4b:s6+s3], $0x80, v16, vm15, $0xb8;
	[tilespmem:$0x1C480] =	vst v63  }
0xd6: {  	s19 =	simm.s32 $0x4480  }
0xd7: {  	[tilespmem:s19], [sflag:$0x1] =	stream.indirect_vreg.gather [hbm4b:s7+s3], $0x80, v16, vm15, $0xb8;
	[tilespmem:$0x1C480] =	vst v63  }
0xd8: {  	s19 =	simm.s32 $0x4C80  }
0xd9: {  	[tilespmem:s19], [sflag:$0x1] =	stream.indirect_vreg.gather [hbm4b:s2+s3], $0x80, v15, vm15, $0xb8;
	[tilespmem:$0x1C480] =	vst v63  }
0xda: {  	s19 =	simm.s32 $0x5480  }
0xdb: {  	[tilespmem:s19], [sflag:$0x1] =	stream.indirect_vreg.gather [hbm4b:s6+s3], $0x80, v15, vm15, $0xb8;
	[tilespmem:$0x1C480] =	vst v63  }
0xdc: {  	s19 =	simm.s32 $0x5C80  }
0xdd: {  	[tilespmem:s19], [sflag:$0x1] =	stream.indirect_vreg.gather [hbm4b:s7+s3], $0x80, v15, vm15, $0xb8;
	[tilespmem:$0x1C480] =	vst v63  }
0xde: {  	v15 =	vld [tilespmem:$0x420];
	_ =	sdelay $0x4  }
0xdf: {  	v55 =	vshrl.u32 v15, $0x3  }
0xe0: {  	v16 =	vmul.u32 $0x30, v55  }
0xe1: {  	v15 =	vand.u32 $0x7, v15  }
0xe2: {  	v15 =	vor.u32 v15, v16  }
0xe3: {  	v16 =	vperm.xlane v15, v7;
	_ =	sdelay $0x1  }
0xe4: {  	v16 =	vadd.s32 v8, v16;
	_ =	sdelay $0x3  }
0xe5: {  	s19 =	simm.s32 $0x6480;
	v15 =	vperm.xlane v15, v9  }
0xe6: {  	[tilespmem:s19], [sflag:$0x1] =	stream.indirect_vreg.gather [hbm4b:s2+s3], $0x80, v16, vm15, $0xb8;
	[tilespmem:$0x1C480] =	vst v63  }
0xe7: {  	v15 =	vadd.s32 v8, v15;
	s19 =	simm.s32 $0x6C80  }
0xe8: {  	[tilespmem:s19], [sflag:$0x1] =	stream.indirect_vreg.gather [hbm4b:s6+s3], $0x80, v16, vm15, $0xb8;
	[tilespmem:$0x1C480] =	vst v63  }
0xe9: {  	s19 =	simm.s32 $0x7480  }
0xea: {  	[tilespmem:s19], [sflag:$0x1] =	stream.indirect_vreg.gather [hbm4b:s7+s3], $0x80, v16, vm15, $0xb8;
	[tilespmem:$0x1C480] =	vst v63  }
0xeb: {  	s19 =	simm.s32 $0x7C80  }
0xec: {  	[tilespmem:s19], [sflag:$0x1] =	stream.indirect_vreg.gather [hbm4b:s2+s3], $0x80, v15, vm15, $0xb8;
	[tilespmem:$0x1C480] =	vst v63  }
0xed: {  	s19 =	simm.s32 $0x8480  }
0xee: {  	[tilespmem:s19], [sflag:$0x1] =	stream.indirect_vreg.gather [hbm4b:s6+s3], $0x80, v15, vm15, $0xb8;
	[tilespmem:$0x1C480] =	vst v63  }
0xef: {  	s19 =	simm.s32 $0x8C80  }
0xf0: {  	[tilespmem:s19], [sflag:$0x1] =	stream.indirect_vreg.gather [hbm4b:s7+s3], $0x80, v15, vm15, $0xb8;
	[tilespmem:$0x1C480] =	vst v63  }
0xf1: {  	v15 =	vld [tilespmem:$0x430];
	_ =	sdelay $0x4  }
0xf2: {  	v56 =	vshrl.u32 v15, $0x3  }
0xf3: {  	v16 =	vmul.u32 $0x30, v56  }
0xf4: {  	v15 =	vand.u32 $0x7, v15  }
0xf5: {  	v15 =	vor.u32 v15, v16  }
0xf6: {  	v16 =	vperm.xlane v15, v7;
	_ =	sdelay $0x1  }
0xf7: {  	v16 =	vadd.s32 v8, v16;
	_ =	sdelay $0x3  }
0xf8: {  	s19 =	simm.s32 $0x9480;
	v15 =	vperm.xlane v15, v9  }
0xf9: {  	[tilespmem:s19], [sflag:$0x1] =	stream.indirect_vreg.gather [hbm4b:s2+s3], $0x80, v16, vm15, $0xb8;
	[tilespmem:$0x1C480] =	vst v63  }
0xfa: {  	v15 =	vadd.s32 v8, v15;
	s19 =	simm.s32 $0x9C80  }
0xfb: {  	[tilespmem:s19], [sflag:$0x1] =	stream.indirect_vreg.gather [hbm4b:s6+s3], $0x80, v16, vm15, $0xb8;
	[tilespmem:$0x1C480] =	vst v63  }
0xfc: {  	s19 =	simm.s32 $0xA480  }
0xfd: {  	[tilespmem:s19], [sflag:$0x1] =	stream.indirect_vreg.gather [hbm4b:s7+s3], $0x80, v16, vm15, $0xb8;
	[tilespmem:$0x1C480] =	vst v63  }
0xfe: {  	s19 =	simm.s32 $0xAC80  }
0xff: {  	[tilespmem:s19], [sflag:$0x1] =	stream.indirect_vreg.gather [hbm4b:s2+s3], $0x80, v15, vm15, $0xb8;
	[tilespmem:$0x1C480] =	vst v63  }
0x100: {  	s19 =	simm.s32 $0xB480  }
0x101: {  	[tilespmem:s19], [sflag:$0x1] =	stream.indirect_vreg.gather [hbm4b:s6+s3], $0x80, v15, vm15, $0xb8;
	[tilespmem:$0x1C480] =	vst v63  }
0x102: {  	s19 =	simm.s32 $0xBC80  }
0x103: {  	[tilespmem:s19], [sflag:$0x1] =	stream.indirect_vreg.gather [hbm4b:s7+s3], $0x80, v15, vm15, $0xb8;
	[tilespmem:$0x1C480] =	vst v63  }
0x104: {  	v15 =	vld [tilespmem:$0x440];
	_ =	sdelay $0x4  }
0x105: {  	v57 =	vshrl.u32 v15, $0x3  }
0x106: {  	v16 =	vmul.u32 $0x30, v57  }
0x107: {  	v15 =	vand.u32 $0x7, v15  }
0x108: {  	v15 =	vor.u32 v15, v16  }
0x109: {  	v16 =	vperm.xlane v15, v7;
	_ =	sdelay $0x1  }
0x10a: {  	v16 =	vadd.s32 v8, v16;
	_ =	sdelay $0x3  }
0x10b: {  	s19 =	simm.s32 $0xC480;
	v15 =	vperm.xlane v15, v9  }
0x10c: {  	[tilespmem:s19], [sflag:$0x1] =	stream.indirect_vreg.gather [hbm4b:s2+s3], $0x80, v16, vm15, $0xb8;
	[tilespmem:$0x1C480] =	vst v63  }
0x10d: {  	v15 =	vadd.s32 v8, v15;
	s19 =	simm.s32 $0xCC80  }
0x10e: {  	[tilespmem:s19], [sflag:$0x1] =	stream.indirect_vreg.gather [hbm4b:s6+s3], $0x80, v16, vm15, $0xb8;
	[tilespmem:$0x1C480] =	vst v63  }
0x10f: {  	s19 =	simm.s32 $0xD480  }
0x110: {  	[tilespmem:s19], [sflag:$0x1] =	stream.indirect_vreg.gather [hbm4b:s7+s3], $0x80, v16, vm15, $0xb8;
	[tilespmem:$0x1C480] =	vst v63  }
0x111: {  	s19 =	simm.s32 $0xDC80  }
0x112: {  	[tilespmem:s19], [sflag:$0x1] =	stream.indirect_vreg.gather [hbm4b:s2+s3], $0x80, v15, vm15, $0xb8;
	[tilespmem:$0x1C480] =	vst v63  }
0x113: {  	s19 =	simm.s32 $0xE480  }
0x114: {  	[tilespmem:s19], [sflag:$0x1] =	stream.indirect_vreg.gather [hbm4b:s6+s3], $0x80, v15, vm15, $0xb8;
	[tilespmem:$0x1C480] =	vst v63  }
0x115: {  	s19 =	simm.s32 $0xEC80  }
0x116: {  	[tilespmem:s19], [sflag:$0x1] =	stream.indirect_vreg.gather [hbm4b:s7+s3], $0x80, v15, vm15, $0xb8;
	[tilespmem:$0x1C480] =	vst v63  }
0x117: {  	v15 =	vld [tilespmem:$0x450];
	_ =	sdelay $0x4  }
0x118: {  	v58 =	vshrl.u32 v15, $0x3  }
0x119: {  	v16 =	vmul.u32 $0x30, v58  }
0x11a: {  	v15 =	vand.u32 $0x7, v15  }
0x11b: {  	v15 =	vor.u32 v15, v16  }
0x11c: {  	v16 =	vperm.xlane v15, v7;
	_ =	sdelay $0x1  }
0x11d: {  	v16 =	vadd.s32 v8, v16;
	_ =	sdelay $0x3  }
0x11e: {  	s19 =	simm.s32 $0xF480;
	v15 =	vperm.xlane v15, v9  }
0x11f: {  	[tilespmem:s19], [sflag:$0x1] =	stream.indirect_vreg.gather [hbm4b:s2+s3], $0x80, v16, vm15, $0xb8;
	[tilespmem:$0x1C480] =	vst v63  }
0x120: {  	v15 =	vadd.s32 v8, v15;
	s19 =	simm.s32 $0xFC80  }
0x121: {  	[tilespmem:s19], [sflag:$0x1] =	stream.indirect_vreg.gather [hbm4b:s6+s3], $0x80, v16, vm15, $0xb8;
	[tilespmem:$0x1C480] =	vst v63  }
0x122: {  	s19 =	simm.s32 $0x10480  }
0x123: {  	[tilespmem:s19], [sflag:$0x1] =	stream.indirect_vreg.gather [hbm4b:s7+s3], $0x80, v16, vm15, $0xb8;
	[tilespmem:$0x1C480] =	vst v63  }
0x124: {  	s19 =	simm.s32 $0x10C80  }
0x125: {  	[tilespmem:s19], [sflag:$0x1] =	stream.indirect_vreg.gather [hbm4b:s2+s3], $0x80, v15, vm15, $0xb8;
	[tilespmem:$0x1C480] =	vst v63  }
0x126: {  	s19 =	simm.s32 $0x11480  }
0x127: {  	[tilespmem:s19], [sflag:$0x1] =	stream.indirect_vreg.gather [hbm4b:s6+s3], $0x80, v15, vm15, $0xb8;
	[tilespmem:$0x1C480] =	vst v63  }
0x128: {  	s19 =	simm.s32 $0x11C80  }
0x129: {  	[tilespmem:s19], [sflag:$0x1] =	stream.indirect_vreg.gather [hbm4b:s7+s3], $0x80, v15, vm15, $0xb8;
	[tilespmem:$0x1C480] =	vst v63  }
0x12a: {  	v15 =	vld [tilespmem:$0x460];
	_ =	sdelay $0x4  }
0x12b: {  	v59 =	vshrl.u32 v15, $0x3  }
0x12c: {  	v16 =	vmul.u32 $0x30, v59  }
0x12d: {  	v15 =	vand.u32 $0x7, v15  }
0x12e: {  	v15 =	vor.u32 v15, v16  }
0x12f: {  	v16 =	vperm.xlane v15, v7;
	_ =	sdelay $0x1  }
0x130: {  	v16 =	vadd.s32 v8, v16;
	_ =	sdelay $0x3  }
0x131: {  	s19 =	simm.s32 $0x12480;
	v15 =	vperm.xlane v15, v9  }
0x132: {  	[tilespmem:s19], [sflag:$0x1] =	stream.indirect_vreg.gather [hbm4b:s2+s3], $0x80, v16, vm15, $0xb8;
	[tilespmem:$0x1C480] =	vst v63  }
0x133: {  	v15 =	vadd.s32 v8, v15;
	s19 =	simm.s32 $0x12C80  }
0x134: {  	[tilespmem:s19], [sflag:$0x1] =	stream.indirect_vreg.gather [hbm4b:s6+s3], $0x80, v16, vm15, $0xb8;
	[tilespmem:$0x1C480] =	vst v63  }
0x135: {  	_ = 	snop  }
0x136: {  	[tilespmem:s20], [sflag:$0x1] =	stream.indirect_vreg.gather [hbm4b:s7+s3], $0x80, v16, vm15, $0xb8;
	[tilespmem:$0x1C480] =	vst v63  }
0x137: {  	_ = 	snop  }
0x138: {  	[tilespmem:s21], [sflag:$0x1] =	stream.indirect_vreg.gather [hbm4b:s2+s3], $0x80, v15, vm15, $0xb8;
	[tilespmem:$0x1C480] =	vst v63  }
0x139: {  	_ = 	snop  }
0x13a: {  	[tilespmem:s22], [sflag:$0x1] =	stream.indirect_vreg.gather [hbm4b:s6+s3], $0x80, v15, vm15, $0xb8;
	[tilespmem:$0x1C480] =	vst v63  }
0x13b: {  	_ = 	snop  }
0x13c: {  	[tilespmem:s23], [sflag:$0x1] =	stream.indirect_vreg.gather [hbm4b:s7+s3], $0x80, v15, vm15, $0xb8;
	[tilespmem:$0x1C480] =	vst v63  }
0x13d: {  	v15 =	vld [tilespmem:$0x470];
	_ =	sdelay $0x4  }
0x13e: {  	v60 =	vshrl.u32 v15, $0x3  }
0x13f: {  	v16 =	vmul.u32 $0x30, v60  }
0x140: {  	v15 =	vand.u32 $0x7, v15  }
0x141: {  	v15 =	vor.u32 v15, v16  }
0x142: {  	v16 =	vperm.xlane v15, v7;
	_ =	sdelay $0x1  }
0x143: {  	v16 =	vadd.s32 v8, v16;
	_ =	sdelay $0x1  }
0x144: {  	v61 =	vmax.f32 v11, v10;
	vm2 =	vmor vm2, vm4;
	vm4 =	veq.s32 v14, v1  }
0x145: {  	v62 =	vmax.f32 v13, v43;
	vm2 =	vmneg vm2;
	vm0 =	vmand vm0, vm4  }
0x146: {  	vm3 =	vmand vm3, vm4;
	vm2 =	vmand vm4, vm2;
	v15 =	vperm.xlane v15, v9  }
0x147: {  	vm1 =	vmand vm1, vm4;
	v11 =	vsel vm3, v11, v61;
	v13 =	vsel vm2, v13, v62;
	[tilespmem:s24], [sflag:$0x1] =	stream.indirect_vreg.gather [hbm4b:s2+s3], $0x80, v16, vm15, $0xb8;
	[tilespmem:$0x1C480] =	vst v63  }
0x148: {  	v10 =	vsel vm0, v10, v11;
	v11 =	vsel vm1, v43, v13;
	v63 =	vadd.s32 v8, v15  }
0x149: {  	v10 =	vmax.f32 v10, v11;
	[tilespmem:s25], [sflag:$0x1] =	stream.indirect_vreg.gather [hbm4b:s6+s3], $0x80, v16, vm15, $0xb8;
	[tilespmem:$0x1C480] =	vst v63  }
0x14a: {  	(xrf0) =	vmax.scan.msk.f32 $0xffff, v10  }
0x14b: {  	[tilespmem:s26], [sflag:$0x1] =	stream.indirect_vreg.gather [hbm4b:s7+s3], $0x80, v16, vm15, $0xb8;
	[tilespmem:$0x1C480] =	vst v63  }
0x14c: {  	_ = 	snop  }
0x14d: {  	[tilespmem:s28], [sflag:$0x1] =	stream.indirect_vreg.gather [hbm4b:s2+s3], $0x80, v63, vm15, $0xb8;
	[tilespmem:$0x1C480] =	vst v63  }
0x14e: {  	_ = 	snop  }
0x14f: {  	[tilespmem:s29], [sflag:$0x1] =	stream.indirect_vreg.gather [hbm4b:s6+s3], $0x80, v63, vm15, $0xb8;
	[tilespmem:$0x1C480] =	vst v63  }
0x150: {  	_ = 	snop  }
0x151: {  	v10, _, _ =	vpop (xrf0);
	[tilespmem:s30], [sflag:$0x1] =	stream.indirect_vreg.gather [hbm4b:s7+s3], $0x80, v63, vm15, $0xb8;
	[tilespmem:$0x1C480] =	vst v63  }
0x152: {  	_ =	swait.ge [sflag:s31], $0x18000  }
0x153: {  	[sflag:s31] =	ssyncset.done $0x0  }
0x154: {  	[sflag:s31] =	ssyncadd.s32 $0xFFFE8000  }
0x155: {  	[hbm4b:s8+s1] =	stream.strided.scatter [tilespmem:s16], [sflag:$0x2], $0x18000, s0, s1, $0x38;
	[tilespmem:$0x1C480] =	vst v63  }
0x156: {  	_ =	swait.ge [sflag:s14], $0x18000  }
0x157: {  	[sflag:s14] =	ssyncset.done $0x0  }
0x158: {  	[sflag:s14] =	ssyncadd.s32 $0xFFFE8000  }
0x159: {  	[hbm4b:s9+s12] =	stream.strided.scatter [tilespmem:s15], [sflag:$0x2], $0x4000, s0, s12, $0x38;
	[tilespmem:$0x1C480] =	vst v63  }
0x15a: {  	s17 =	sadd.s32 $0x1, s17;
	_ =	swait.ge [sflag:s14], $0x4000  }
0x15b: {  	p0 =	sne.s32 s17, s11;
	[sflag:s14] =	ssyncset.done $0x0  }
.Ltmp1:
0x15c: {  	[sflag:s14] =	ssyncadd.s32 $0xFFFFC000;
	(pc) =	sbr.rel @p0 .LBB2_1-.Ltmp1, $4  }
0x15d: {  	[hbm4b:s10+s12] =	stream.strided.scatter [tilespmem:s15], [sflag:$0x2], $0x4000, s0, s12, $0x38;
	[tilespmem:$0x1C480] =	vst v63  }
0x15e: {  	_ =	swait.ge [sflag:s14], $0x4000  }
0x15f: {  	[sflag:s14] =	ssyncset.done $0x0  }
0x160: {  	[sflag:s14] =	ssyncadd.s32 $0xFFFFC000  }
0x161: {  	_ =	sfence.sel $0x180000  }
0x162: {  	[bflag:$0x0] =	sbarrier.arrive $0xFFFF  }
0x163: {  	_ =	strace $0x90000047  }
0x164: {  	s0 =	stileid.u32;
	[bflag:$0x2] =	sbarrier.arrive $0xFFFF  }
0x165: {  	p0 =	sne.s32 s0, $0x0;
	s0 =	rddreg [dreg:$0x3]  }
0x166: {  	s0 =	sadd.s32 @!p0 $0x100000, s0  }
0x167: {  	[sflag:s0] =	ssyncadd.tile.s32 @!p0 $0x1;
	_ =	shalt  }
.Lfunc_end2:
_tile_overlayer_lowered:
.L_overlay_start_2:
0x168: {  	(tag) =	ssettag $0x2  }
0x169: {  	s0 =	rddreg [dreg:$0x0];
	s2 =	stileid.u32  }
0x16a: {  	s1 =	rddreg [dreg:$0x1];
	p0 =	sne.s32 s2, $0x0  }
0x16b: {  	s3 =	rddreg [dreg:$0x2];
	[bflag:$0x3] =	sbarrier.arrive $0xFFFF;
	s2 =	simm.s32 @!p0 $0x1C02  }
0x16c: {  	[timem:s3], [sflag:s2] =	dma.local @!p0 [hbm:s0], s1  }
0x16d: {  	s0 =	simm.s32 @!p0 $0x2  }
0x16e: {  	_ =	swait.ge @!p0 [sflag:s0], s1  }
0x16f: {  	s1 =	ssub.s32 @!p0 $0x0, s1;
	[sflag:s0] =	ssyncset.done @!p0 $0x0  }
0x170: {  	[sflag:s0] =	ssyncadd.s32 @!p0 s1  }
0x171: {  	[bflag:$0x3] =	sbarrier.arrive $0xFFFF  }
0x172: {  	_ =	shalt  }

</sc_bundles>
